<compile_context>
chip_gen: v7x
topology: tpu7x:2x2x1
jax: 0.10.2.dev20260603
libtpu: 0.0.44.dev20260713+nightly
codegen_flags: <defaults>
</compile_context>

<pallas_src>
import functools

import jax
import jax.numpy as jnp
from jax import lax
from jax.experimental import pallas as pl
from jax.experimental.pallas import tpu as pltpu
from jax.experimental.pallas import tpu_sc as plsc

N = 32768
D = 128
E = 64
G = 8
EG = E // G
BT = 8192

NC = 2
NS = 16
L = 16
NW = NC * NS
PER_W = N // NW
GROUPS = PER_W // L
UNROLL = 2


def _gelu_exact(x):
    return 0.5 * x * (1.0 + lax.erf(x * (2.0 ** -0.5)))


def _logits_block(x_ref, w1_ref, w2_ref, w3_ref, vals_ref, pk1_ref, pk2_ref):
    x = x_ref[...]
    h = _gelu_exact(jnp.dot(x, w1_ref[...]))
    h = _gelu_exact(jnp.dot(h, w2_ref[...]))
    lt = lax.dot_general(w3_ref[...], h, (((0,), (1,)), ((), ())))

    v3 = lt.reshape(G, EG, BT)
    io = lax.broadcasted_iota(jnp.int32, (G, EG, BT), 1)
    m1g = jnp.max(v3, axis=1)
    i1g = jnp.min(jnp.where(v3 == m1g[:, None, :], io, EG), axis=1)
    masked = jnp.where(io == i1g[:, None, :], -jnp.inf, v3)
    m2g = jnp.max(masked, axis=1)
    i2g = jnp.min(jnp.where(masked == m2g[:, None, :], io, EG), axis=1)

    vals_ref[...] = jnp.concatenate([m1g, m2g], axis=0)
    shifts = 3 * lax.broadcasted_iota(jnp.int32, (G, BT), 0)
    pk1_ref[...] = jnp.sum(i1g << shifts, axis=0)[None, :]
    pk2_ref[...] = jnp.sum(i2g << shifts, axis=0)[None, :]


def _tc_stage(routing_features, W1, W2, W3):
    full = lambda i: (0, 0)
    return pl.pallas_call(
        _logits_block,
        grid=(N // BT,),
        in_specs=[
            pl.BlockSpec((BT, D), lambda i: (i, 0)),
            pl.BlockSpec((D, 2 * D), full),
            pl.BlockSpec((2 * D, D), full),
            pl.BlockSpec((D, E), full),
        ],
        out_specs=[
            pl.BlockSpec((2 * G, BT), lambda i: (0, i)),
            pl.BlockSpec((1, BT), lambda i: (0, i)),
            pl.BlockSpec((1, BT), lambda i: (0, i)),
        ],
        out_shape=[
            jax.ShapeDtypeStruct((2 * G, N), jnp.float32),
            jax.ShapeDtypeStruct((1, N), jnp.int32),
            jax.ShapeDtypeStruct((1, N), jnp.int32),
        ],
        compiler_params=pltpu.CompilerParams(
            dimension_semantics=("parallel",)),
    )(routing_features, W1, W2, W3)


def _sc_merge_body(vals_hbm, pk1_hbm, pk2_hbm, out_hbm,
                   valsv, pk1v, pk2v, outv):
    wid = lax.axis_index("s") * NC + lax.axis_index("c")
    base = wid * PER_W
    pltpu.sync_copy(vals_hbm.at[:, pl.ds(base, PER_W)], valsv)
    pltpu.sync_copy(pk1_hbm.at[0, pl.ds(base, PER_W)], pk1v)
    pltpu.sync_copy(pk2_hbm.at[0, pl.ds(base, PER_W)], pk2v)

    def merge_group(sl):
        p1 = pk1v[sl]
        p2 = pk2v[sl]
        m1 = valsv[0, sl]
        m2 = valsv[G, sl]
        i1 = p1 & 7
        i2 = p2 & 7
        for g in range(1, G):
            v1 = valsv[g, sl]
            v2 = valsv[G + g, sl]
            j1 = ((p1 >> (3 * g)) & 7) | (EG * g)
            j2 = ((p2 >> (3 * g)) & 7) | (EG * g)
            gt1 = v1 > m1
            ia = jnp.where(v2 > m1, j2, i1)
            ib = jnp.where(v1 > m2, j1, i2)
            a = jnp.maximum(m1, v2)
            b = jnp.maximum(m2, v1)
            m2 = jnp.where(gt1, a, b)
            i2 = jnp.where(gt1, ia, ib)
            m1 = jnp.maximum(m1, v1)
            i1 = jnp.where(gt1, j1, i1)
        s = jnp.exp(m2 - m1)
        w1 = 1.0 / (1.0 + s)
        wq = (w1 * 524287.0).astype(jnp.int32)
        outv[sl] = (i1 << 25) | (i2 << 19) | wq

    def group(g, carry):
        gbase = pl.multiple_of(g * (UNROLL * L), UNROLL * L)
        for k in range(UNROLL):
            merge_group(pl.ds(gbase + k * L, L))
        return carry

    lax.fori_loop(0, GROUPS // UNROLL, group, 0)

    pltpu.sync_copy(outv, out_hbm.at[pl.ds(base, PER_W)])


@functools.cache
def _sc_merge():
    return pl.kernel(
        _sc_merge_body,
        out_type=jax.ShapeDtypeStruct((N,), jnp.int32),
        mesh=plsc.VectorSubcoreMesh(core_axis_name="c", subcore_axis_name="s",
                                    num_cores=NC, num_subcores=NS),
        scratch_types=[
            pltpu.VMEM((2 * G, PER_W), jnp.float32),
            pltpu.VMEM((PER_W,), jnp.int32),
            pltpu.VMEM((PER_W,), jnp.int32),
            pltpu.VMEM((PER_W,), jnp.int32),
        ],
    )


@jax.jit
def kernel(routing_features, W1, b1, W2, b2, W3, b3, expert_bias, temperature):
    vals, pk1, pk2 = _tc_stage(routing_features, W1, W2, W3)
    pk = _sc_merge()(vals, pk1, pk2)
    i1 = pk >> 25
    i2 = (pk >> 19) & 63
    w1 = (pk & 0x7FFFF).astype(jnp.float32) * (1.0 / 524287.0)
    top_indices = jnp.stack([i1, i2], axis=-1)
    top_weights = jnp.stack([w1, 1.0 - w1], axis=-1)
    return (top_indices, top_weights)

# --- scband reference (transcript-rebuilt; emitter-appended) ---
"""Pipeline reference for scband-tactic-router-5935644803718 (READ-ONLY COPY).

The authoritative reference and input builder live on the scoring server;
editing this copy changes nothing except your own understanding.
"""

import jax, jax.numpy as jnp
import numpy as np

N = 32768  # tokens (batch=4 * seq_len=8192)
D = 128    # d_routing
E = 64     # n_experts
K = 2      # top_k


def setup_inputs(seed: int = 0) -> dict:
    key = jax.random.key(seed)
    ks = jax.random.split(key, 8)
    inp = {
        "routing_features": jax.random.normal(ks[0], (N, D), dtype=jnp.float32),
        # routing_net: Linear(D, 2D) -> GELU -> Linear(2D, D) -> GELU -> Linear(D, E)
        # weights stored as [in, out] (transposed relative to torch nn.Linear)
        "W1": jax.random.normal(ks[1], (D, 2 * D), dtype=jnp.float32) * 0.02,
        "b1": jnp.zeros((2 * D,), dtype=jnp.float32),
        "W2": jax.random.normal(ks[2], (2 * D, D), dtype=jnp.float32) * 0.02,
        "b2": jnp.zeros((D,), dtype=jnp.float32),
        "W3": jax.random.normal(ks[3], (D, E), dtype=jnp.float32) * 0.02,
        "b3": jnp.zeros((E,), dtype=jnp.float32),
        "expert_bias": jnp.zeros((E,), dtype=jnp.float32),
        "temperature": jnp.ones((1,), dtype=jnp.float32),
    }
    return inp


def reference(routing_features, W1, b1, W2, b2, W3, b3, expert_bias, temperature):
    h = jax.nn.gelu(routing_features @ W1 + b1, approximate=False)
    h = jax.nn.gelu(h @ W2 + b2, approximate=False)
    logits = h @ W3 + b3
    logits = logits + expert_bias
    logits = logits / jnp.clip(temperature, 0.1, None)
    scores = jax.nn.softmax(logits, axis=-1)
    top_scores, top_indices = jax.lax.top_k(scores, K)
    top_weights = top_scores / jnp.sum(top_scores, axis=-1, keepdims=True)
    return (top_indices, top_weights)

if __name__ == "__main__":
    import jax
    _d = setup_inputs()
    print(jax.jit(kernel)(*tuple(_d.values())))

</pallas_src>

<mosaic_0001>
#map = affine_map<(d0, d1) -> (0, 0)>
#map1 = affine_map<(d0, d1) -> (0)>
module attributes {stable_mosaic.version = 14 : i64} {
  func.func @_sc_merge_body(%arg0: i32, %arg1: i32, %arg2: memref<16x32768xf32, #tpu.memory_space<hbm>>, %arg3: memref<1x32768xi32, #tpu.memory_space<hbm>>, %arg4: memref<1x32768xi32, #tpu.memory_space<hbm>>, %arg5: memref<32768xi32, #tpu.memory_space<hbm>>, %arg6: memref<16x1024xf32, #tpu.memory_space<vmem>>, %arg7: memref<1024xi32, #tpu.memory_space<vmem>>, %arg8: memref<1024xi32, #tpu.memory_space<vmem>>, %arg9: memref<1024xi32, #tpu.memory_space<vmem>>) attributes {dimension_semantics = [#tpu.dimension_semantics<core_parallel>, #tpu.dimension_semantics<subcore_parallel>], iteration_bounds = array<i64: 2, 16>, scalar_prefetch = 0 : i64, scratch_operands = 4 : i64, tpu.core_type = #tpu.core_type<sc_vector_subcore>, window_params = [{transform_indices = #map}, {transform_indices = #map}, {transform_indices = #map}, {transform_indices = #map1}]} {
    %mul3A = arith.constant 2 : i32
    %mul3A_0 = arith.muli %arg1, %mul3A : i32
    %add3A = arith.addi %mul3A_0, %arg0 : i32
    %mul3A_1 = arith.constant 1024 : i32
    %mul3A_2 = arith.muli %add3A, %mul3A_1 : i32
    "tpu.region"() ({
      %run_scoped3A_9 = tpu.sem_alloc : memref<!tpu.dma_semaphore, #tpu.memory_space<semaphore_mem>>
      %dma_start3A = arith.constant 0 : i32
      %dma_start3A_10 = tpu.memref_slice %arg2[%dma_start3A, %mul3A_2] : memref<16x32768xf32, #tpu.memory_space<hbm>> -> memref<16x1024xf32, #tpu.memory_space<hbm>>
      %dma_start3A_11 = arith.constant 0 : i32
      %dma_start3A_12 = tpu.memref_slice %arg2[%dma_start3A_11, %mul3A_2] : memref<16x32768xf32, #tpu.memory_space<hbm>> -> memref<16x1024xf32, #tpu.memory_space<hbm>>
      tpu.enqueue_dma source(%dma_start3A_12 : memref<16x1024xf32, #tpu.memory_space<hbm>>) target(%arg6 : memref<16x1024xf32, #tpu.memory_space<vmem>>) target_semaphore(%run_scoped3A_9 : memref<!tpu.dma_semaphore, #tpu.memory_space<semaphore_mem>>)
      %dma_wait3A = arith.constant 0 : i32
      %dma_wait3A_13 = tpu.memref_slice %arg2[%dma_wait3A, %mul3A_2] : memref<16x32768xf32, #tpu.memory_space<hbm>> -> memref<16x1024xf32, #tpu.memory_space<hbm>>
      %dma_wait3A_14 = arith.constant 0 : i32
      %dma_wait3A_15 = tpu.memref_slice %arg2[%dma_wait3A_14, %mul3A_2] : memref<16x32768xf32, #tpu.memory_space<hbm>> -> memref<16x1024xf32, #tpu.memory_space<hbm>>
      tpu.wait_dma2 semaphore(%run_scoped3A_9 : memref<!tpu.dma_semaphore, #tpu.memory_space<semaphore_mem>>) src(%dma_wait3A_15 : memref<16x1024xf32, #tpu.memory_space<hbm>>) dst(%arg6 : memref<16x1024xf32, #tpu.memory_space<vmem>>)
      tpu.yield
    }) : () -> ()
    %run_scoped3A = arith.constant 0 : i32
    "tpu.region"() ({
      %run_scoped3A_9 = tpu.sem_alloc : memref<!tpu.dma_semaphore, #tpu.memory_space<semaphore_mem>>
      %dma_start3A = tpu.memref_slice %arg3[%run_scoped3A, %mul3A_2] : memref<1x32768xi32, #tpu.memory_space<hbm>> -> memref<1x1024xi32, #tpu.memory_space<hbm>>
      %dma_start3A_10 = tpu.memref_squeeze %dma_start3A : memref<1x1024xi32, #tpu.memory_space<hbm>> -> memref<1024xi32, #tpu.memory_space<hbm>>
      %dma_start3A_11 = tpu.memref_slice %arg3[%run_scoped3A, %mul3A_2] : memref<1x32768xi32, #tpu.memory_space<hbm>> -> memref<1x1024xi32, #tpu.memory_space<hbm>>
      %dma_start3A_12 = tpu.memref_squeeze %dma_start3A_11 : memref<1x1024xi32, #tpu.memory_space<hbm>> -> memref<1024xi32, #tpu.memory_space<hbm>>
      tpu.enqueue_dma source(%dma_start3A_12 : memref<1024xi32, #tpu.memory_space<hbm>>) target(%arg7 : memref<1024xi32, #tpu.memory_space<vmem>>) target_semaphore(%run_scoped3A_9 : memref<!tpu.dma_semaphore, #tpu.memory_space<semaphore_mem>>)
      %dma_wait3A = tpu.memref_slice %arg3[%run_scoped3A, %mul3A_2] : memref<1x32768xi32, #tpu.memory_space<hbm>> -> memref<1x1024xi32, #tpu.memory_space<hbm>>
      %dma_wait3A_13 = tpu.memref_squeeze %dma_wait3A : memref<1x1024xi32, #tpu.memory_space<hbm>> -> memref<1024xi32, #tpu.memory_space<hbm>>
      %dma_wait3A_14 = tpu.memref_slice %arg3[%run_scoped3A, %mul3A_2] : memref<1x32768xi32, #tpu.memory_space<hbm>> -> memref<1x1024xi32, #tpu.memory_space<hbm>>
      %dma_wait3A_15 = tpu.memref_squeeze %dma_wait3A_14 : memref<1x1024xi32, #tpu.memory_space<hbm>> -> memref<1024xi32, #tpu.memory_space<hbm>>
      tpu.wait_dma2 semaphore(%run_scoped3A_9 : memref<!tpu.dma_semaphore, #tpu.memory_space<semaphore_mem>>) src(%dma_wait3A_15 : memref<1024xi32, #tpu.memory_space<hbm>>) dst(%arg7 : memref<1024xi32, #tpu.memory_space<vmem>>)
      tpu.yield
    }) : () -> ()
    %run_scoped3A_3 = arith.constant 0 : i32
    "tpu.region"() ({
      %run_scoped3A_9 = tpu.sem_alloc : memref<!tpu.dma_semaphore, #tpu.memory_space<semaphore_mem>>
      %dma_start3A = tpu.memref_slice %arg4[%run_scoped3A_3, %mul3A_2] : memref<1x32768xi32, #tpu.memory_space<hbm>> -> memref<1x1024xi32, #tpu.memory_space<hbm>>
      %dma_start3A_10 = tpu.memref_squeeze %dma_start3A : memref<1x1024xi32, #tpu.memory_space<hbm>> -> memref<1024xi32, #tpu.memory_space<hbm>>
      %dma_start3A_11 = tpu.memref_slice %arg4[%run_scoped3A_3, %mul3A_2] : memref<1x32768xi32, #tpu.memory_space<hbm>> -> memref<1x1024xi32, #tpu.memory_space<hbm>>
      %dma_start3A_12 = tpu.memref_squeeze %dma_start3A_11 : memref<1x1024xi32, #tpu.memory_space<hbm>> -> memref<1024xi32, #tpu.memory_space<hbm>>
      tpu.enqueue_dma source(%dma_start3A_12 : memref<1024xi32, #tpu.memory_space<hbm>>) target(%arg8 : memref<1024xi32, #tpu.memory_space<vmem>>) target_semaphore(%run_scoped3A_9 : memref<!tpu.dma_semaphore, #tpu.memory_space<semaphore_mem>>)
      %dma_wait3A = tpu.memref_slice %arg4[%run_scoped3A_3, %mul3A_2] : memref<1x32768xi32, #tpu.memory_space<hbm>> -> memref<1x1024xi32, #tpu.memory_space<hbm>>
      %dma_wait3A_13 = tpu.memref_squeeze %dma_wait3A : memref<1x1024xi32, #tpu.memory_space<hbm>> -> memref<1024xi32, #tpu.memory_space<hbm>>
      %dma_wait3A_14 = tpu.memref_slice %arg4[%run_scoped3A_3, %mul3A_2] : memref<1x32768xi32, #tpu.memory_space<hbm>> -> memref<1x1024xi32, #tpu.memory_space<hbm>>
      %dma_wait3A_15 = tpu.memref_squeeze %dma_wait3A_14 : memref<1x1024xi32, #tpu.memory_space<hbm>> -> memref<1024xi32, #tpu.memory_space<hbm>>
      tpu.wait_dma2 semaphore(%run_scoped3A_9 : memref<!tpu.dma_semaphore, #tpu.memory_space<semaphore_mem>>) src(%dma_wait3A_15 : memref<1024xi32, #tpu.memory_space<hbm>>) dst(%arg8 : memref<1024xi32, #tpu.memory_space<vmem>>)
      tpu.yield
    }) : () -> ()
    %scan3A = arith.constant 0 : i32
    %scan3A_4 = arith.constant 0 : i32
    %scan3A_5 = arith.constant 32 : i32
    %scan3A_6 = arith.addi %scan3A_4, %scan3A_5 : i32
    %scan3A_7 = arith.constant 1 : i32
    scf.for %scan3A_9 = %scan3A_4 to %scan3A_6 step %scan3A_7  : i32 {
      %mul3A_10 = arith.constant 32 : i32
      %mul3A_11 = arith.muli %scan3A_9, %mul3A_10 : i32
      %multiple_of3A = tpu.assume_multiple %mul3A_11, 32 : i32
      %add3A_12 = arith.constant 0 : i32
      %add3A_13 = arith.addi %multiple_of3A, %add3A_12 : i32
      %get3A = arith.index_cast %add3A_13 : i32 to index
      %get3A_14 = tpu.vector_load %arg7[%get3A] {strides = array<i32>} : memref<1024xi32, #tpu.memory_space<vmem>>, vector<16xi32>,
      %get3A_15 = vector.shape_cast %get3A_14 : vector<16xi32> to vector<16xi32>
      %get3A_16 = arith.index_cast %add3A_13 : i32 to index
      %get3A_17 = tpu.vector_load %arg8[%get3A_16] {strides = array<i32>} : memref<1024xi32, #tpu.memory_space<vmem>>, vector<16xi32>,
      %get3A_18 = vector.shape_cast %get3A_17 : vector<16xi32> to vector<16xi32>
      %get3A_19 = arith.constant 0 : i32
      %get3A_20 = arith.index_cast %get3A_19 : i32 to index
      %get3A_21 = arith.index_cast %add3A_13 : i32 to index
      %get3A_22 = tpu.vector_load %arg6[%get3A_20, %get3A_21] {strides = array<i32>} : memref<16x1024xf32, #tpu.memory_space<vmem>>, vector<1x16xf32>,
      %get3A_23 = vector.shape_cast %get3A_22 : vector<1x16xf32> to vector<16xf32>
      %get3A_24 = arith.constant 8 : i32
      %get3A_25 = arith.index_cast %get3A_24 : i32 to index
      %get3A_26 = arith.index_cast %add3A_13 : i32 to index
      %get3A_27 = tpu.vector_load %arg6[%get3A_25, %get3A_26] {strides = array<i32>} : memref<16x1024xf32, #tpu.memory_space<vmem>>, vector<1x16xf32>,
      %get3A_28 = vector.shape_cast %get3A_27 : vector<1x16xf32> to vector<16xf32>
      %and3A = arith.constant 7 : i32
      %and3A_29 = vector.broadcast %and3A : i32 to vector<16xi32>
      %and3A_30 = arith.andi %get3A_15, %and3A_29 : vector<16xi32>
      %and3A_31 = arith.constant 7 : i32
      %and3A_32 = vector.broadcast %and3A_31 : i32 to vector<16xi32>
      %and3A_33 = arith.andi %get3A_18, %and3A_32 : vector<16xi32>
      %get3A_34 = arith.constant 1 : i32
      %get3A_35 = arith.index_cast %get3A_34 : i32 to index
      %get3A_36 = arith.index_cast %add3A_13 : i32 to index
      %get3A_37 = tpu.vector_load %arg6[%get3A_35, %get3A_36] {strides = array<i32>} : memref<16x1024xf32, #tpu.memory_space<vmem>>, vector<1x16xf32>,
      %get3A_38 = vector.shape_cast %get3A_37 : vector<1x16xf32> to vector<16xf32>
      %get3A_39 = arith.constant 9 : i32
      %get3A_40 = arith.index_cast %get3A_39 : i32 to index
      %get3A_41 = arith.index_cast %add3A_13 : i32 to index
      %get3A_42 = tpu.vector_load %arg6[%get3A_40, %get3A_41] {strides = array<i32>} : memref<16x1024xf32, #tpu.memory_space<vmem>>, vector<1x16xf32>,
      %get3A_43 = vector.shape_cast %get3A_42 : vector<1x16xf32> to vector<16xf32>
      %shift_right_arithmetic3A = arith.constant 3 : i32
      %shift_right_arithmetic3A_44 = vector.broadcast %shift_right_arithmetic3A : i32 to vector<16xi32>
      %shift_right_arithmetic3A_45 = arith.shrsi %get3A_15, %shift_right_arithmetic3A_44 : vector<16xi32>
      %and3A_46 = arith.constant 7 : i32
      %and3A_47 = vector.broadcast %and3A_46 : i32 to vector<16xi32>
      %and3A_48 = arith.andi %shift_right_arithmetic3A_45, %and3A_47 : vector<16xi32>
      %or3A = arith.constant 8 : i32
      %or3A_49 = vector.broadcast %or3A : i32 to vector<16xi32>
      %or3A_50 = arith.ori %and3A_48, %or3A_49 : vector<16xi32>
      %shift_right_arithmetic3A_51 = arith.constant 3 : i32
      %shift_right_arithmetic3A_52 = vector.broadcast %shift_right_arithmetic3A_51 : i32 to vector<16xi32>
      %shift_right_arithmetic3A_53 = arith.shrsi %get3A_18, %shift_right_arithmetic3A_52 : vector<16xi32>
      %and3A_54 = arith.constant 7 : i32
      %and3A_55 = vector.broadcast %and3A_54 : i32 to vector<16xi32>
      %and3A_56 = arith.andi %shift_right_arithmetic3A_53, %and3A_55 : vector<16xi32>
      %or3A_57 = arith.constant 8 : i32
      %or3A_58 = vector.broadcast %or3A_57 : i32 to vector<16xi32>
      %or3A_59 = arith.ori %and3A_56, %or3A_58 : vector<16xi32>
      %gt3A = arith.cmpf ogt, %get3A_38, %get3A_23 : vector<16xf32>
      %gt3A_60 = arith.cmpf ogt, %get3A_43, %get3A_23 : vector<16xf32>
      %select_n3A = arith.select %gt3A_60, %or3A_59, %and3A_30 : vector<16xi1>, vector<16xi32>
      %gt3A_61 = arith.cmpf ogt, %get3A_38, %get3A_28 : vector<16xf32>
      %select_n3A_62 = arith.select %gt3A_61, %or3A_50, %and3A_33 : vector<16xi1>, vector<16xi32>
      %max3A = arith.maximumf %get3A_23, %get3A_43 : vector<16xf32>
      %max3A_63 = arith.maximumf %get3A_28, %get3A_38 : vector<16xf32>
      %select_n3A_64 = arith.select %gt3A, %max3A, %max3A_63 : vector<16xi1>, vector<16xf32>
      %select_n3A_65 = arith.select %gt3A, %select_n3A, %select_n3A_62 : vector<16xi1>, vector<16xi32>
      %max3A_66 = arith.maximumf %get3A_23, %get3A_38 : vector<16xf32>
      %select_n3A_67 = arith.select %gt3A, %or3A_50, %and3A_30 : vector<16xi1>, vector<16xi32>
      %get3A_68 = arith.constant 2 : i32
      %get3A_69 = arith.index_cast %get3A_68 : i32 to index
      %get3A_70 = arith.index_cast %add3A_13 : i32 to index
      %get3A_71 = tpu.vector_load %arg6[%get3A_69, %get3A_70] {strides = array<i32>} : memref<16x1024xf32, #tpu.memory_space<vmem>>, vector<1x16xf32>,
      %get3A_72 = vector.shape_cast %get3A_71 : vector<1x16xf32> to vector<16xf32>
      %get3A_73 = arith.constant 10 : i32
      %get3A_74 = arith.index_cast %get3A_73 : i32 to index
      %get3A_75 = arith.index_cast %add3A_13 : i32 to index
      %get3A_76 = tpu.vector_load %arg6[%get3A_74, %get3A_75] {strides = array<i32>} : memref<16x1024xf32, #tpu.memory_space<vmem>>, vector<1x16xf32>,
      %get3A_77 = vector.shape_cast %get3A_76 : vector<1x16xf32> to vector<16xf32>
      %shift_right_arithmetic3A_78 = arith.constant 6 : i32
      %shift_right_arithmetic3A_79 = vector.broadcast %shift_right_arithmetic3A_78 : i32 to vector<16xi32>
      %shift_right_arithmetic3A_80 = arith.shrsi %get3A_15, %shift_right_arithmetic3A_79 : vector<16xi32>
      %and3A_81 = arith.constant 7 : i32
      %and3A_82 = vector.broadcast %and3A_81 : i32 to vector<16xi32>
      %and3A_83 = arith.andi %shift_right_arithmetic3A_80, %and3A_82 : vector<16xi32>
      %or3A_84 = arith.constant 16 : i32
      %or3A_85 = vector.broadcast %or3A_84 : i32 to vector<16xi32>
      %or3A_86 = arith.ori %and3A_83, %or3A_85 : vector<16xi32>
      %shift_right_arithmetic3A_87 = arith.constant 6 : i32
      %shift_right_arithmetic3A_88 = vector.broadcast %shift_right_arithmetic3A_87 : i32 to vector<16xi32>
      %shift_right_arithmetic3A_89 = arith.shrsi %get3A_18, %shift_right_arithmetic3A_88 : vector<16xi32>
      %and3A_90 = arith.constant 7 : i32
      %and3A_91 = vector.broadcast %and3A_90 : i32 to vector<16xi32>
      %and3A_92 = arith.andi %shift_right_arithmetic3A_89, %and3A_91 : vector<16xi32>
      %or3A_93 = arith.constant 16 : i32
      %or3A_94 = vector.broadcast %or3A_93 : i32 to vector<16xi32>
      %or3A_95 = arith.ori %and3A_92, %or3A_94 : vector<16xi32>
      %gt3A_96 = arith.cmpf ogt, %get3A_72, %max3A_66 : vector<16xf32>
      %gt3A_97 = arith.cmpf ogt, %get3A_77, %max3A_66 : vector<16xf32>
      %select_n3A_98 = arith.select %gt3A_97, %or3A_95, %select_n3A_67 : vector<16xi1>, vector<16xi32>
      %gt3A_99 = arith.cmpf ogt, %get3A_72, %select_n3A_64 : vector<16xf32>
      %select_n3A_100 = arith.select %gt3A_99, %or3A_86, %select_n3A_65 : vector<16xi1>, vector<16xi32>
      %max3A_101 = arith.maximumf %max3A_66, %get3A_77 : vector<16xf32>
      %max3A_102 = arith.maximumf %select_n3A_64, %get3A_72 : vector<16xf32>
      %select_n3A_103 = arith.select %gt3A_96, %max3A_101, %max3A_102 : vector<16xi1>, vector<16xf32>
      %select_n3A_104 = arith.select %gt3A_96, %select_n3A_98, %select_n3A_100 : vector<16xi1>, vector<16xi32>
      %max3A_105 = arith.maximumf %max3A_66, %get3A_72 : vector<16xf32>
      %select_n3A_106 = arith.select %gt3A_96, %or3A_86, %select_n3A_67 : vector<16xi1>, vector<16xi32>
      %get3A_107 = arith.constant 3 : i32
      %get3A_108 = arith.index_cast %get3A_107 : i32 to index
      %get3A_109 = arith.index_cast %add3A_13 : i32 to index
      %get3A_110 = tpu.vector_load %arg6[%get3A_108, %get3A_109] {strides = array<i32>} : memref<16x1024xf32, #tpu.memory_space<vmem>>, vector<1x16xf32>,
      %get3A_111 = vector.shape_cast %get3A_110 : vector<1x16xf32> to vector<16xf32>
      %get3A_112 = arith.constant 11 : i32
      %get3A_113 = arith.index_cast %get3A_112 : i32 to index
      %get3A_114 = arith.index_cast %add3A_13 : i32 to index
      %get3A_115 = tpu.vector_load %arg6[%get3A_113, %get3A_114] {strides = array<i32>} : memref<16x1024xf32, #tpu.memory_space<vmem>>, vector<1x16xf32>,
      %get3A_116 = vector.shape_cast %get3A_115 : vector<1x16xf32> to vector<16xf32>
      %shift_right_arithmetic3A_117 = arith.constant 9 : i32
      %shift_right_arithmetic3A_118 = vector.broadcast %shift_right_arithmetic3A_117 : i32 to vector<16xi32>
      %shift_right_arithmetic3A_119 = arith.shrsi %get3A_15, %shift_right_arithmetic3A_118 : vector<16xi32>
      %and3A_120 = arith.constant 7 : i32
      %and3A_121 = vector.broadcast %and3A_120 : i32 to vector<16xi32>
      %and3A_122 = arith.andi %shift_right_arithmetic3A_119, %and3A_121 : vector<16xi32>
      %or3A_123 = arith.constant 24 : i32
      %or3A_124 = vector.broadcast %or3A_123 : i32 to vector<16xi32>
      %or3A_125 = arith.ori %and3A_122, %or3A_124 : vector<16xi32>
      %shift_right_arithmetic3A_126 = arith.constant 9 : i32
      %shift_right_arithmetic3A_127 = vector.broadcast %shift_right_arithmetic3A_126 : i32 to vector<16xi32>
      %shift_right_arithmetic3A_128 = arith.shrsi %get3A_18, %shift_right_arithmetic3A_127 : vector<16xi32>
      %and3A_129 = arith.constant 7 : i32
      %and3A_130 = vector.broadcast %and3A_129 : i32 to vector<16xi32>
      %and3A_131 = arith.andi %shift_right_arithmetic3A_128, %and3A_130 : vector<16xi32>
      %or3A_132 = arith.constant 24 : i32
      %or3A_133 = vector.broadcast %or3A_132 : i32 to vector<16xi32>
      %or3A_134 = arith.ori %and3A_131, %or3A_133 : vector<16xi32>
      %gt3A_135 = arith.cmpf ogt, %get3A_111, %max3A_105 : vector<16xf32>
      %gt3A_136 = arith.cmpf ogt, %get3A_116, %max3A_105 : vector<16xf32>
      %select_n3A_137 = arith.select %gt3A_136, %or3A_134, %select_n3A_106 : vector<16xi1>, vector<16xi32>
      %gt3A_138 = arith.cmpf ogt, %get3A_111, %select_n3A_103 : vector<16xf32>
      %select_n3A_139 = arith.select %gt3A_138, %or3A_125, %select_n3A_104 : vector<16xi1>, vector<16xi32>
      %max3A_140 = arith.maximumf %max3A_105, %get3A_116 : vector<16xf32>
      %max3A_141 = arith.maximumf %select_n3A_103, %get3A_111 : vector<16xf32>
      %select_n3A_142 = arith.select %gt3A_135, %max3A_140, %max3A_141 : vector<16xi1>, vector<16xf32>
      %select_n3A_143 = arith.select %gt3A_135, %select_n3A_137, %select_n3A_139 : vector<16xi1>, vector<16xi32>
      %max3A_144 = arith.maximumf %max3A_105, %get3A_111 : vector<16xf32>
      %select_n3A_145 = arith.select %gt3A_135, %or3A_125, %select_n3A_106 : vector<16xi1>, vector<16xi32>
      %get3A_146 = arith.constant 4 : i32
      %get3A_147 = arith.index_cast %get3A_146 : i32 to index
      %get3A_148 = arith.index_cast %add3A_13 : i32 to index
      %get3A_149 = tpu.vector_load %arg6[%get3A_147, %get3A_148] {strides = array<i32>} : memref<16x1024xf32, #tpu.memory_space<vmem>>, vector<1x16xf32>,
      %get3A_150 = vector.shape_cast %get3A_149 : vector<1x16xf32> to vector<16xf32>
      %get3A_151 = arith.constant 12 : i32
      %get3A_152 = arith.index_cast %get3A_151 : i32 to index
      %get3A_153 = arith.index_cast %add3A_13 : i32 to index
      %get3A_154 = tpu.vector_load %arg6[%get3A_152, %get3A_153] {strides = array<i32>} : memref<16x1024xf32, #tpu.memory_space<vmem>>, vector<1x16xf32>,
      %get3A_155 = vector.shape_cast %get3A_154 : vector<1x16xf32> to vector<16xf32>
      %shift_right_arithmetic3A_156 = arith.constant 12 : i32
      %shift_right_arithmetic3A_157 = vector.broadcast %shift_right_arithmetic3A_156 : i32 to vector<16xi32>
      %shift_right_arithmetic3A_158 = arith.shrsi %get3A_15, %shift_right_arithmetic3A_157 : vector<16xi32>
      %and3A_159 = arith.constant 7 : i32
      %and3A_160 = vector.broadcast %and3A_159 : i32 to vector<16xi32>
      %and3A_161 = arith.andi %shift_right_arithmetic3A_158, %and3A_160 : vector<16xi32>
      %or3A_162 = arith.constant 32 : i32
      %or3A_163 = vector.broadcast %or3A_162 : i32 to vector<16xi32>
      %or3A_164 = arith.ori %and3A_161, %or3A_163 : vector<16xi32>
      %shift_right_arithmetic3A_165 = arith.constant 12 : i32
      %shift_right_arithmetic3A_166 = vector.broadcast %shift_right_arithmetic3A_165 : i32 to vector<16xi32>
      %shift_right_arithmetic3A_167 = arith.shrsi %get3A_18, %shift_right_arithmetic3A_166 : vector<16xi32>
      %and3A_168 = arith.constant 7 : i32
      %and3A_169 = vector.broadcast %and3A_168 : i32 to vector<16xi32>
      %and3A_170 = arith.andi %shift_right_arithmetic3A_167, %and3A_169 : vector<16xi32>
      %or3A_171 = arith.constant 32 : i32
      %or3A_172 = vector.broadcast %or3A_171 : i32 to vector<16xi32>
      %or3A_173 = arith.ori %and3A_170, %or3A_172 : vector<16xi32>
      %gt3A_174 = arith.cmpf ogt, %get3A_150, %max3A_144 : vector<16xf32>
      %gt3A_175 = arith.cmpf ogt, %get3A_155, %max3A_144 : vector<16xf32>
      %select_n3A_176 = arith.select %gt3A_175, %or3A_173, %select_n3A_145 : vector<16xi1>, vector<16xi32>
      %gt3A_177 = arith.cmpf ogt, %get3A_150, %select_n3A_142 : vector<16xf32>
      %select_n3A_178 = arith.select %gt3A_177, %or3A_164, %select_n3A_143 : vector<16xi1>, vector<16xi32>
      %max3A_179 = arith.maximumf %max3A_144, %get3A_155 : vector<16xf32>
      %max3A_180 = arith.maximumf %select_n3A_142, %get3A_150 : vector<16xf32>
      %select_n3A_181 = arith.select %gt3A_174, %max3A_179, %max3A_180 : vector<16xi1>, vector<16xf32>
      %select_n3A_182 = arith.select %gt3A_174, %select_n3A_176, %select_n3A_178 : vector<16xi1>, vector<16xi32>
      %max3A_183 = arith.maximumf %max3A_144, %get3A_150 : vector<16xf32>
      %select_n3A_184 = arith.select %gt3A_174, %or3A_164, %select_n3A_145 : vector<16xi1>, vector<16xi32>
      %get3A_185 = arith.constant 5 : i32
      %get3A_186 = arith.index_cast %get3A_185 : i32 to index
      %get3A_187 = arith.index_cast %add3A_13 : i32 to index
      %get3A_188 = tpu.vector_load %arg6[%get3A_186, %get3A_187] {strides = array<i32>} : memref<16x1024xf32, #tpu.memory_space<vmem>>, vector<1x16xf32>,
      %get3A_189 = vector.shape_cast %get3A_188 : vector<1x16xf32> to vector<16xf32>
      %get3A_190 = arith.constant 13 : i32
      %get3A_191 = arith.index_cast %get3A_190 : i32 to index
      %get3A_192 = arith.index_cast %add3A_13 : i32 to index
      %get3A_193 = tpu.vector_load %arg6[%get3A_191, %get3A_192] {strides = array<i32>} : memref<16x1024xf32, #tpu.memory_space<vmem>>, vector<1x16xf32>,
      %get3A_194 = vector.shape_cast %get3A_193 : vector<1x16xf32> to vector<16xf32>
      %shift_right_arithmetic3A_195 = arith.constant 15 : i32
      %shift_right_arithmetic3A_196 = vector.broadcast %shift_right_arithmetic3A_195 : i32 to vector<16xi32>
      %shift_right_arithmetic3A_197 = arith.shrsi %get3A_15, %shift_right_arithmetic3A_196 : vector<16xi32>
      %and3A_198 = arith.constant 7 : i32
      %and3A_199 = vector.broadcast %and3A_198 : i32 to vector<16xi32>
      %and3A_200 = arith.andi %shift_right_arithmetic3A_197, %and3A_199 : vector<16xi32>
      %or3A_201 = arith.constant 40 : i32
      %or3A_202 = vector.broadcast %or3A_201 : i32 to vector<16xi32>
      %or3A_203 = arith.ori %and3A_200, %or3A_202 : vector<16xi32>
      %shift_right_arithmetic3A_204 = arith.constant 15 : i32
      %shift_right_arithmetic3A_205 = vector.broadcast %shift_right_arithmetic3A_204 : i32 to vector<16xi32>
      %shift_right_arithmetic3A_206 = arith.shrsi %get3A_18, %shift_right_arithmetic3A_205 : vector<16xi32>
      %and3A_207 = arith.constant 7 : i32
      %and3A_208 = vector.broadcast %and3A_207 : i32 to vector<16xi32>
      %and3A_209 = arith.andi %shift_right_arithmetic3A_206, %and3A_208 : vector<16xi32>
      %or3A_210 = arith.constant 40 : i32
      %or3A_211 = vector.broadcast %or3A_210 : i32 to vector<16xi32>
      %or3A_212 = arith.ori %and3A_209, %or3A_211 : vector<16xi32>
      %gt3A_213 = arith.cmpf ogt, %get3A_189, %max3A_183 : vector<16xf32>
      %gt3A_214 = arith.cmpf ogt, %get3A_194, %max3A_183 : vector<16xf32>
      %select_n3A_215 = arith.select %gt3A_214, %or3A_212, %select_n3A_184 : vector<16xi1>, vector<16xi32>
      %gt3A_216 = arith.cmpf ogt, %get3A_189, %select_n3A_181 : vector<16xf32>
      %select_n3A_217 = arith.select %gt3A_216, %or3A_203, %select_n3A_182 : vector<16xi1>, vector<16xi32>
      %max3A_218 = arith.maximumf %max3A_183, %get3A_194 : vector<16xf32>
      %max3A_219 = arith.maximumf %select_n3A_181, %get3A_189 : vector<16xf32>
      %select_n3A_220 = arith.select %gt3A_213, %max3A_218, %max3A_219 : vector<16xi1>, vector<16xf32>
      %select_n3A_221 = arith.select %gt3A_213, %select_n3A_215, %select_n3A_217 : vector<16xi1>, vector<16xi32>
      %max3A_222 = arith.maximumf %max3A_183, %get3A_189 : vector<16xf32>
      %select_n3A_223 = arith.select %gt3A_213, %or3A_203, %select_n3A_184 : vector<16xi1>, vector<16xi32>
      %get3A_224 = arith.constant 6 : i32
      %get3A_225 = arith.index_cast %get3A_224 : i32 to index
      %get3A_226 = arith.index_cast %add3A_13 : i32 to index
      %get3A_227 = tpu.vector_load %arg6[%get3A_225, %get3A_226] {strides = array<i32>} : memref<16x1024xf32, #tpu.memory_space<vmem>>, vector<1x16xf32>,
      %get3A_228 = vector.shape_cast %get3A_227 : vector<1x16xf32> to vector<16xf32>
      %get3A_229 = arith.constant 14 : i32
      %get3A_230 = arith.index_cast %get3A_229 : i32 to index
      %get3A_231 = arith.index_cast %add3A_13 : i32 to index
      %get3A_232 = tpu.vector_load %arg6[%get3A_230, %get3A_231] {strides = array<i32>} : memref<16x1024xf32, #tpu.memory_space<vmem>>, vector<1x16xf32>,
      %get3A_233 = vector.shape_cast %get3A_232 : vector<1x16xf32> to vector<16xf32>
      %shift_right_arithmetic3A_234 = arith.constant 18 : i32
      %shift_right_arithmetic3A_235 = vector.broadcast %shift_right_arithmetic3A_234 : i32 to vector<16xi32>
      %shift_right_arithmetic3A_236 = arith.shrsi %get3A_15, %shift_right_arithmetic3A_235 : vector<16xi32>
      %and3A_237 = arith.constant 7 : i32
      %and3A_238 = vector.broadcast %and3A_237 : i32 to vector<16xi32>
      %and3A_239 = arith.andi %shift_right_arithmetic3A_236, %and3A_238 : vector<16xi32>
      %or3A_240 = arith.constant 48 : i32
      %or3A_241 = vector.broadcast %or3A_240 : i32 to vector<16xi32>
      %or3A_242 = arith.ori %and3A_239, %or3A_241 : vector<16xi32>
      %shift_right_arithmetic3A_243 = arith.constant 18 : i32
      %shift_right_arithmetic3A_244 = vector.broadcast %shift_right_arithmetic3A_243 : i32 to vector<16xi32>
      %shift_right_arithmetic3A_245 = arith.shrsi %get3A_18, %shift_right_arithmetic3A_244 : vector<16xi32>
      %and3A_246 = arith.constant 7 : i32
      %and3A_247 = vector.broadcast %and3A_246 : i32 to vector<16xi32>
      %and3A_248 = arith.andi %shift_right_arithmetic3A_245, %and3A_247 : vector<16xi32>
      %or3A_249 = arith.constant 48 : i32
      %or3A_250 = vector.broadcast %or3A_249 : i32 to vector<16xi32>
      %or3A_251 = arith.ori %and3A_248, %or3A_250 : vector<16xi32>
      %gt3A_252 = arith.cmpf ogt, %get3A_228, %max3A_222 : vector<16xf32>
      %gt3A_253 = arith.cmpf ogt, %get3A_233, %max3A_222 : vector<16xf32>
      %select_n3A_254 = arith.select %gt3A_253, %or3A_251, %select_n3A_223 : vector<16xi1>, vector<16xi32>
      %gt3A_255 = arith.cmpf ogt, %get3A_228, %select_n3A_220 : vector<16xf32>
      %select_n3A_256 = arith.select %gt3A_255, %or3A_242, %select_n3A_221 : vector<16xi1>, vector<16xi32>
      %max3A_257 = arith.maximumf %max3A_222, %get3A_233 : vector<16xf32>
      %max3A_258 = arith.maximumf %select_n3A_220, %get3A_228 : vector<16xf32>
      %select_n3A_259 = arith.select %gt3A_252, %max3A_257, %max3A_258 : vector<16xi1>, vector<16xf32>
      %select_n3A_260 = arith.select %gt3A_252, %select_n3A_254, %select_n3A_256 : vector<16xi1>, vector<16xi32>
      %max3A_261 = arith.maximumf %max3A_222, %get3A_228 : vector<16xf32>
      %select_n3A_262 = arith.select %gt3A_252, %or3A_242, %select_n3A_223 : vector<16xi1>, vector<16xi32>
      %get3A_263 = arith.constant 7 : i32
      %get3A_264 = arith.index_cast %get3A_263 : i32 to index
      %get3A_265 = arith.index_cast %add3A_13 : i32 to index
      %get3A_266 = tpu.vector_load %arg6[%get3A_264, %get3A_265] {strides = array<i32>} : memref<16x1024xf32, #tpu.memory_space<vmem>>, vector<1x16xf32>,
      %get3A_267 = vector.shape_cast %get3A_266 : vector<1x16xf32> to vector<16xf32>
      %get3A_268 = arith.constant 15 : i32
      %get3A_269 = arith.index_cast %get3A_268 : i32 to index
      %get3A_270 = arith.index_cast %add3A_13 : i32 to index
      %get3A_271 = tpu.vector_load %arg6[%get3A_269, %get3A_270] {strides = array<i32>} : memref<16x1024xf32, #tpu.memory_space<vmem>>, vector<1x16xf32>,
      %get3A_272 = vector.shape_cast %get3A_271 : vector<1x16xf32> to vector<16xf32>
      %shift_right_arithmetic3A_273 = arith.constant 21 : i32
      %shift_right_arithmetic3A_274 = vector.broadcast %shift_right_arithmetic3A_273 : i32 to vector<16xi32>
      %shift_right_arithmetic3A_275 = arith.shrsi %get3A_15, %shift_right_arithmetic3A_274 : vector<16xi32>
      %and3A_276 = arith.constant 7 : i32
      %and3A_277 = vector.broadcast %and3A_276 : i32 to vector<16xi32>
      %and3A_278 = arith.andi %shift_right_arithmetic3A_275, %and3A_277 : vector<16xi32>
      %or3A_279 = arith.constant 56 : i32
      %or3A_280 = vector.broadcast %or3A_279 : i32 to vector<16xi32>
      %or3A_281 = arith.ori %and3A_278, %or3A_280 : vector<16xi32>
      %shift_right_arithmetic3A_282 = arith.constant 21 : i32
      %shift_right_arithmetic3A_283 = vector.broadcast %shift_right_arithmetic3A_282 : i32 to vector<16xi32>
      %shift_right_arithmetic3A_284 = arith.shrsi %get3A_18, %shift_right_arithmetic3A_283 : vector<16xi32>
      %and3A_285 = arith.constant 7 : i32
      %and3A_286 = vector.broadcast %and3A_285 : i32 to vector<16xi32>
      %and3A_287 = arith.andi %shift_right_arithmetic3A_284, %and3A_286 : vector<16xi32>
      %or3A_288 = arith.constant 56 : i32
      %or3A_289 = vector.broadcast %or3A_288 : i32 to vector<16xi32>
      %or3A_290 = arith.ori %and3A_287, %or3A_289 : vector<16xi32>
      %gt3A_291 = arith.cmpf ogt, %get3A_267, %max3A_261 : vector<16xf32>
      %gt3A_292 = arith.cmpf ogt, %get3A_272, %max3A_261 : vector<16xf32>
      %select_n3A_293 = arith.select %gt3A_292, %or3A_290, %select_n3A_262 : vector<16xi1>, vector<16xi32>
      %gt3A_294 = arith.cmpf ogt, %get3A_267, %select_n3A_259 : vector<16xf32>
      %select_n3A_295 = arith.select %gt3A_294, %or3A_281, %select_n3A_260 : vector<16xi1>, vector<16xi32>
      %max3A_296 = arith.maximumf %max3A_261, %get3A_272 : vector<16xf32>
      %max3A_297 = arith.maximumf %select_n3A_259, %get3A_267 : vector<16xf32>
      %select_n3A_298 = arith.select %gt3A_291, %max3A_296, %max3A_297 : vector<16xi1>, vector<16xf32>
      %select_n3A_299 = arith.select %gt3A_291, %select_n3A_293, %select_n3A_295 : vector<16xi1>, vector<16xi32>
      %max3A_300 = arith.maximumf %max3A_261, %get3A_267 : vector<16xf32>
      %select_n3A_301 = arith.select %gt3A_291, %or3A_281, %select_n3A_262 : vector<16xi1>, vector<16xi32>
      %sub3A = arith.subf %select_n3A_298, %max3A_300 : vector<16xf32>
      %exp3A = math.exp %sub3A : vector<16xf32>
      %add3A_302 = arith.constant 1.000000e+00 : f32
      %add3A_303 = vector.broadcast %add3A_302 : f32 to vector<16xf32>
      %add3A_304 = arith.addf %add3A_303, %exp3A : vector<16xf32>
      %div3A = arith.constant 1.000000e+00 : f32
      %div3A_305 = vector.broadcast %div3A : f32 to vector<16xf32>
      %div3A_306 = arith.divf %div3A_305, %add3A_304 : vector<16xf32>
      %mul3A_307 = arith.constant 5.242870e+05 : f32
      %mul3A_308 = vector.broadcast %mul3A_307 : f32 to vector<16xf32>
      %mul3A_309 = arith.mulf %div3A_306, %mul3A_308 : vector<16xf32>
      %convert_element_type3A = arith.fptosi %mul3A_309 : vector<16xf32> to vector<16xi32>
      %shift_left3A = arith.constant 25 : i32
      %shift_left3A_310 = vector.broadcast %shift_left3A : i32 to vector<16xi32>
      %shift_left3A_311 = arith.shli %select_n3A_301, %shift_left3A_310 : vector<16xi32>
      %shift_left3A_312 = arith.constant 19 : i32
      %shift_left3A_313 = vector.broadcast %shift_left3A_312 : i32 to vector<16xi32>
      %shift_left3A_314 = arith.shli %select_n3A_299, %shift_left3A_313 : vector<16xi32>
      %or3A_315 = arith.ori %shift_left3A_311, %shift_left3A_314 : vector<16xi32>
      %or3A_316 = arith.ori %or3A_315, %convert_element_type3A : vector<16xi32>
      %swap3A = arith.index_cast %add3A_13 : i32 to index
      %swap3A_317 = tpu.vector_load %arg9[%swap3A] {strides = array<i32>} : memref<1024xi32, #tpu.memory_space<vmem>>, vector<16xi32>,
      %swap3A_318 = vector.shape_cast %swap3A_317 : vector<16xi32> to vector<16xi32>
      %swap3A_319 = vector.shape_cast %or3A_316 : vector<16xi32> to vector<16xi32>
      tpu.vector_store %arg9[%swap3A], %swap3A_319 {strides = array<i32>} : memref<1024xi32, #tpu.memory_space<vmem>>, vector<16xi32>,
      %add3A_320 = arith.constant 16 : i32
      %add3A_321 = arith.addi %multiple_of3A, %add3A_320 : i32
      %get3A_322 = arith.index_cast %add3A_321 : i32 to index
      %get3A_323 = tpu.vector_load %arg7[%get3A_322] {strides = array<i32>} : memref<1024xi32, #tpu.memory_space<vmem>>, vector<16xi32>,
      %get3A_324 = vector.shape_cast %get3A_323 : vector<16xi32> to vector<16xi32>
      %get3A_325 = arith.index_cast %add3A_321 : i32 to index
      %get3A_326 = tpu.vector_load %arg8[%get3A_325] {strides = array<i32>} : memref<1024xi32, #tpu.memory_space<vmem>>, vector<16xi32>,
      %get3A_327 = vector.shape_cast %get3A_326 : vector<16xi32> to vector<16xi32>
      %get3A_328 = arith.constant 0 : i32
      %get3A_329 = arith.index_cast %get3A_328 : i32 to index
      %get3A_330 = arith.index_cast %add3A_321 : i32 to index
      %get3A_331 = tpu.vector_load %arg6[%get3A_329, %get3A_330] {strides = array<i32>} : memref<16x1024xf32, #tpu.memory_space<vmem>>, vector<1x16xf32>,
      %get3A_332 = vector.shape_cast %get3A_331 : vector<1x16xf32> to vector<16xf32>
      %get3A_333 = arith.constant 8 : i32
      %get3A_334 = arith.index_cast %get3A_333 : i32 to index
      %get3A_335 = arith.index_cast %add3A_321 : i32 to index
      %get3A_336 = tpu.vector_load %arg6[%get3A_334, %get3A_335] {strides = array<i32>} : memref<16x1024xf32, #tpu.memory_space<vmem>>, vector<1x16xf32>,
      %get3A_337 = vector.shape_cast %get3A_336 : vector<1x16xf32> to vector<16xf32>
      %and3A_338 = arith.constant 7 : i32
      %and3A_339 = vector.broadcast %and3A_338 : i32 to vector<16xi32>
      %and3A_340 = arith.andi %get3A_324, %and3A_339 : vector<16xi32>
      %and3A_341 = arith.constant 7 : i32
      %and3A_342 = vector.broadcast %and3A_341 : i32 to vector<16xi32>
      %and3A_343 = arith.andi %get3A_327, %and3A_342 : vector<16xi32>
      %get3A_344 = arith.constant 1 : i32
      %get3A_345 = arith.index_cast %get3A_344 : i32 to index
      %get3A_346 = arith.index_cast %add3A_321 : i32 to index
      %get3A_347 = tpu.vector_load %arg6[%get3A_345, %get3A_346] {strides = array<i32>} : memref<16x1024xf32, #tpu.memory_space<vmem>>, vector<1x16xf32>,
      %get3A_348 = vector.shape_cast %get3A_347 : vector<1x16xf32> to vector<16xf32>
      %get3A_349 = arith.constant 9 : i32
      %get3A_350 = arith.index_cast %get3A_349 : i32 to index
      %get3A_351 = arith.index_cast %add3A_321 : i32 to index
      %get3A_352 = tpu.vector_load %arg6[%get3A_350, %get3A_351] {strides = array<i32>} : memref<16x1024xf32, #tpu.memory_space<vmem>>, vector<1x16xf32>,
      %get3A_353 = vector.shape_cast %get3A_352 : vector<1x16xf32> to vector<16xf32>
      %shift_right_arithmetic3A_354 = arith.constant 3 : i32
      %shift_right_arithmetic3A_355 = vector.broadcast %shift_right_arithmetic3A_354 : i32 to vector<16xi32>
      %shift_right_arithmetic3A_356 = arith.shrsi %get3A_324, %shift_right_arithmetic3A_355 : vector<16xi32>
      %and3A_357 = arith.constant 7 : i32
      %and3A_358 = vector.broadcast %and3A_357 : i32 to vector<16xi32>
      %and3A_359 = arith.andi %shift_right_arithmetic3A_356, %and3A_358 : vector<16xi32>
      %or3A_360 = arith.constant 8 : i32
      %or3A_361 = vector.broadcast %or3A_360 : i32 to vector<16xi32>
      %or3A_362 = arith.ori %and3A_359, %or3A_361 : vector<16xi32>
      %shift_right_arithmetic3A_363 = arith.constant 3 : i32
      %shift_right_arithmetic3A_364 = vector.broadcast %shift_right_arithmetic3A_363 : i32 to vector<16xi32>
      %shift_right_arithmetic3A_365 = arith.shrsi %get3A_327, %shift_right_arithmetic3A_364 : vector<16xi32>
      %and3A_366 = arith.constant 7 : i32
      %and3A_367 = vector.broadcast %and3A_366 : i32 to vector<16xi32>
      %and3A_368 = arith.andi %shift_right_arithmetic3A_365, %and3A_367 : vector<16xi32>
      %or3A_369 = arith.constant 8 : i32
      %or3A_370 = vector.broadcast %or3A_369 : i32 to vector<16xi32>
      %or3A_371 = arith.ori %and3A_368, %or3A_370 : vector<16xi32>
      %gt3A_372 = arith.cmpf ogt, %get3A_348, %get3A_332 : vector<16xf32>
      %gt3A_373 = arith.cmpf ogt, %get3A_353, %get3A_332 : vector<16xf32>
      %select_n3A_374 = arith.select %gt3A_373, %or3A_371, %and3A_340 : vector<16xi1>, vector<16xi32>
      %gt3A_375 = arith.cmpf ogt, %get3A_348, %get3A_337 : vector<16xf32>
      %select_n3A_376 = arith.select %gt3A_375, %or3A_362, %and3A_343 : vector<16xi1>, vector<16xi32>
      %max3A_377 = arith.maximumf %get3A_332, %get3A_353 : vector<16xf32>
      %max3A_378 = arith.maximumf %get3A_337, %get3A_348 : vector<16xf32>
      %select_n3A_379 = arith.select %gt3A_372, %max3A_377, %max3A_378 : vector<16xi1>, vector<16xf32>
      %select_n3A_380 = arith.select %gt3A_372, %select_n3A_374, %select_n3A_376 : vector<16xi1>, vector<16xi32>
      %max3A_381 = arith.maximumf %get3A_332, %get3A_348 : vector<16xf32>
      %select_n3A_382 = arith.select %gt3A_372, %or3A_362, %and3A_340 : vector<16xi1>, vector<16xi32>
      %get3A_383 = arith.constant 2 : i32
      %get3A_384 = arith.index_cast %get3A_383 : i32 to index
      %get3A_385 = arith.index_cast %add3A_321 : i32 to index
      %get3A_386 = tpu.vector_load %arg6[%get3A_384, %get3A_385] {strides = array<i32>} : memref<16x1024xf32, #tpu.memory_space<vmem>>, vector<1x16xf32>,
      %get3A_387 = vector.shape_cast %get3A_386 : vector<1x16xf32> to vector<16xf32>
      %get3A_388 = arith.constant 10 : i32
      %get3A_389 = arith.index_cast %get3A_388 : i32 to index
      %get3A_390 = arith.index_cast %add3A_321 : i32 to index
      %get3A_391 = tpu.vector_load %arg6[%get3A_389, %get3A_390] {strides = array<i32>} : memref<16x1024xf32, #tpu.memory_space<vmem>>, vector<1x16xf32>,
      %get3A_392 = vector.shape_cast %get3A_391 : vector<1x16xf32> to vector<16xf32>
      %shift_right_arithmetic3A_393 = arith.constant 6 : i32
      %shift_right_arithmetic3A_394 = vector.broadcast %shift_right_arithmetic3A_393 : i32 to vector<16xi32>
      %shift_right_arithmetic3A_395 = arith.shrsi %get3A_324, %shift_right_arithmetic3A_394 : vector<16xi32>
      %and3A_396 = arith.constant 7 : i32
      %and3A_397 = vector.broadcast %and3A_396 : i32 to vector<16xi32>
      %and3A_398 = arith.andi %shift_right_arithmetic3A_395, %and3A_397 : vector<16xi32>
      %or3A_399 = arith.constant 16 : i32
      %or3A_400 = vector.broadcast %or3A_399 : i32 to vector<16xi32>
      %or3A_401 = arith.ori %and3A_398, %or3A_400 : vector<16xi32>
      %shift_right_arithmetic3A_402 = arith.constant 6 : i32
      %shift_right_arithmetic3A_403 = vector.broadcast %shift_right_arithmetic3A_402 : i32 to vector<16xi32>
      %shift_right_arithmetic3A_404 = arith.shrsi %get3A_327, %shift_right_arithmetic3A_403 : vector<16xi32>
      %and3A_405 = arith.constant 7 : i32
      %and3A_406 = vector.broadcast %and3A_405 : i32 to vector<16xi32>
      %and3A_407 = arith.andi %shift_right_arithmetic3A_404, %and3A_406 : vector<16xi32>
      %or3A_408 = arith.constant 16 : i32
      %or3A_409 = vector.broadcast %or3A_408 : i32 to vector<16xi32>
      %or3A_410 = arith.ori %and3A_407, %or3A_409 : vector<16xi32>
      %gt3A_411 = arith.cmpf ogt, %get3A_387, %max3A_381 : vector<16xf32>
      %gt3A_412 = arith.cmpf ogt, %get3A_392, %max3A_381 : vector<16xf32>
      %select_n3A_413 = arith.select %gt3A_412, %or3A_410, %select_n3A_382 : vector<16xi1>, vector<16xi32>
      %gt3A_414 = arith.cmpf ogt, %get3A_387, %select_n3A_379 : vector<16xf32>
      %select_n3A_415 = arith.select %gt3A_414, %or3A_401, %select_n3A_380 : vector<16xi1>, vector<16xi32>
      %max3A_416 = arith.maximumf %max3A_381, %get3A_392 : vector<16xf32>
      %max3A_417 = arith.maximumf %select_n3A_379, %get3A_387 : vector<16xf32>
      %select_n3A_418 = arith.select %gt3A_411, %max3A_416, %max3A_417 : vector<16xi1>, vector<16xf32>
      %select_n3A_419 = arith.select %gt3A_411, %select_n3A_413, %select_n3A_415 : vector<16xi1>, vector<16xi32>
      %max3A_420 = arith.maximumf %max3A_381, %get3A_387 : vector<16xf32>
      %select_n3A_421 = arith.select %gt3A_411, %or3A_401, %select_n3A_382 : vector<16xi1>, vector<16xi32>
      %get3A_422 = arith.constant 3 : i32
      %get3A_423 = arith.index_cast %get3A_422 : i32 to index
      %get3A_424 = arith.index_cast %add3A_321 : i32 to index
      %get3A_425 = tpu.vector_load %arg6[%get3A_423, %get3A_424] {strides = array<i32>} : memref<16x1024xf32, #tpu.memory_space<vmem>>, vector<1x16xf32>,
      %get3A_426 = vector.shape_cast %get3A_425 : vector<1x16xf32> to vector<16xf32>
      %get3A_427 = arith.constant 11 : i32
      %get3A_428 = arith.index_cast %get3A_427 : i32 to index
      %get3A_429 = arith.index_cast %add3A_321 : i32 to index
      %get3A_430 = tpu.vector_load %arg6[%get3A_428, %get3A_429] {strides = array<i32>} : memref<16x1024xf32, #tpu.memory_space<vmem>>, vector<1x16xf32>,
      %get3A_431 = vector.shape_cast %get3A_430 : vector<1x16xf32> to vector<16xf32>
      %shift_right_arithmetic3A_432 = arith.constant 9 : i32
      %shift_right_arithmetic3A_433 = vector.broadcast %shift_right_arithmetic3A_432 : i32 to vector<16xi32>
      %shift_right_arithmetic3A_434 = arith.shrsi %get3A_324, %shift_right_arithmetic3A_433 : vector<16xi32>
      %and3A_435 = arith.constant 7 : i32
      %and3A_436 = vector.broadcast %and3A_435 : i32 to vector<16xi32>
      %and3A_437 = arith.andi %shift_right_arithmetic3A_434, %and3A_436 : vector<16xi32>
      %or3A_438 = arith.constant 24 : i32
      %or3A_439 = vector.broadcast %or3A_438 : i32 to vector<16xi32>
      %or3A_440 = arith.ori %and3A_437, %or3A_439 : vector<16xi32>
      %shift_right_arithmetic3A_441 = arith.constant 9 : i32
      %shift_right_arithmetic3A_442 = vector.broadcast %shift_right_arithmetic3A_441 : i32 to vector<16xi32>
      %shift_right_arithmetic3A_443 = arith.shrsi %get3A_327, %shift_right_arithmetic3A_442 : vector<16xi32>
      %and3A_444 = arith.constant 7 : i32
      %and3A_445 = vector.broadcast %and3A_444 : i32 to vector<16xi32>
      %and3A_446 = arith.andi %shift_right_arithmetic3A_443, %and3A_445 : vector<16xi32>
      %or3A_447 = arith.constant 24 : i32
      %or3A_448 = vector.broadcast %or3A_447 : i32 to vector<16xi32>
      %or3A_449 = arith.ori %and3A_446, %or3A_448 : vector<16xi32>
      %gt3A_450 = arith.cmpf ogt, %get3A_426, %max3A_420 : vector<16xf32>
      %gt3A_451 = arith.cmpf ogt, %get3A_431, %max3A_420 : vector<16xf32>
      %select_n3A_452 = arith.select %gt3A_451, %or3A_449, %select_n3A_421 : vector<16xi1>, vector<16xi32>
      %gt3A_453 = arith.cmpf ogt, %get3A_426, %select_n3A_418 : vector<16xf32>
      %select_n3A_454 = arith.select %gt3A_453, %or3A_440, %select_n3A_419 : vector<16xi1>, vector<16xi32>
      %max3A_455 = arith.maximumf %max3A_420, %get3A_431 : vector<16xf32>
      %max3A_456 = arith.maximumf %select_n3A_418, %get3A_426 : vector<16xf32>
      %select_n3A_457 = arith.select %gt3A_450, %max3A_455, %max3A_456 : vector<16xi1>, vector<16xf32>
      %select_n3A_458 = arith.select %gt3A_450, %select_n3A_452, %select_n3A_454 : vector<16xi1>, vector<16xi32>
      %max3A_459 = arith.maximumf %max3A_420, %get3A_426 : vector<16xf32>
      %select_n3A_460 = arith.select %gt3A_450, %or3A_440, %select_n3A_421 : vector<16xi1>, vector<16xi32>
      %get3A_461 = arith.constant 4 : i32
      %get3A_462 = arith.index_cast %get3A_461 : i32 to index
      %get3A_463 = arith.index_cast %add3A_321 : i32 to index
      %get3A_464 = tpu.vector_load %arg6[%get3A_462, %get3A_463] {strides = array<i32>} : memref<16x1024xf32, #tpu.memory_space<vmem>>, vector<1x16xf32>,
      %get3A_465 = vector.shape_cast %get3A_464 : vector<1x16xf32> to vector<16xf32>
      %get3A_466 = arith.constant 12 : i32
      %get3A_467 = arith.index_cast %get3A_466 : i32 to index
      %get3A_468 = arith.index_cast %add3A_321 : i32 to index
      %get3A_469 = tpu.vector_load %arg6[%get3A_467, %get3A_468] {strides = array<i32>} : memref<16x1024xf32, #tpu.memory_space<vmem>>, vector<1x16xf32>,
      %get3A_470 = vector.shape_cast %get3A_469 : vector<1x16xf32> to vector<16xf32>
      %shift_right_arithmetic3A_471 = arith.constant 12 : i32
      %shift_right_arithmetic3A_472 = vector.broadcast %shift_right_arithmetic3A_471 : i32 to vector<16xi32>
      %shift_right_arithmetic3A_473 = arith.shrsi %get3A_324, %shift_right_arithmetic3A_472 : vector<16xi32>
      %and3A_474 = arith.constant 7 : i32
      %and3A_475 = vector.broadcast %and3A_474 : i32 to vector<16xi32>
      %and3A_476 = arith.andi %shift_right_arithmetic3A_473, %and3A_475 : vector<16xi32>
      %or3A_477 = arith.constant 32 : i32
      %or3A_478 = vector.broadcast %or3A_477 : i32 to vector<16xi32>
      %or3A_479 = arith.ori %and3A_476, %or3A_478 : vector<16xi32>
      %shift_right_arithmetic3A_480 = arith.constant 12 : i32
      %shift_right_arithmetic3A_481 = vector.broadcast %shift_right_arithmetic3A_480 : i32 to vector<16xi32>
      %shift_right_arithmetic3A_482 = arith.shrsi %get3A_327, %shift_right_arithmetic3A_481 : vector<16xi32>
      %and3A_483 = arith.constant 7 : i32
      %and3A_484 = vector.broadcast %and3A_483 : i32 to vector<16xi32>
      %and3A_485 = arith.andi %shift_right_arithmetic3A_482, %and3A_484 : vector<16xi32>
      %or3A_486 = arith.constant 32 : i32
      %or3A_487 = vector.broadcast %or3A_486 : i32 to vector<16xi32>
      %or3A_488 = arith.ori %and3A_485, %or3A_487 : vector<16xi32>
      %gt3A_489 = arith.cmpf ogt, %get3A_465, %max3A_459 : vector<16xf32>
      %gt3A_490 = arith.cmpf ogt, %get3A_470, %max3A_459 : vector<16xf32>
      %select_n3A_491 = arith.select %gt3A_490, %or3A_488, %select_n3A_460 : vector<16xi1>, vector<16xi32>
      %gt3A_492 = arith.cmpf ogt, %get3A_465, %select_n3A_457 : vector<16xf32>
      %select_n3A_493 = arith.select %gt3A_492, %or3A_479, %select_n3A_458 : vector<16xi1>, vector<16xi32>
      %max3A_494 = arith.maximumf %max3A_459, %get3A_470 : vector<16xf32>
      %max3A_495 = arith.maximumf %select_n3A_457, %get3A_465 : vector<16xf32>
      %select_n3A_496 = arith.select %gt3A_489, %max3A_494, %max3A_495 : vector<16xi1>, vector<16xf32>
      %select_n3A_497 = arith.select %gt3A_489, %select_n3A_491, %select_n3A_493 : vector<16xi1>, vector<16xi32>
      %max3A_498 = arith.maximumf %max3A_459, %get3A_465 : vector<16xf32>
      %select_n3A_499 = arith.select %gt3A_489, %or3A_479, %select_n3A_460 : vector<16xi1>, vector<16xi32>
      %get3A_500 = arith.constant 5 : i32
      %get3A_501 = arith.index_cast %get3A_500 : i32 to index
      %get3A_502 = arith.index_cast %add3A_321 : i32 to index
      %get3A_503 = tpu.vector_load %arg6[%get3A_501, %get3A_502] {strides = array<i32>} : memref<16x1024xf32, #tpu.memory_space<vmem>>, vector<1x16xf32>,
      %get3A_504 = vector.shape_cast %get3A_503 : vector<1x16xf32> to vector<16xf32>
      %get3A_505 = arith.constant 13 : i32
      %get3A_506 = arith.index_cast %get3A_505 : i32 to index
      %get3A_507 = arith.index_cast %add3A_321 : i32 to index
      %get3A_508 = tpu.vector_load %arg6[%get3A_506, %get3A_507] {strides = array<i32>} : memref<16x1024xf32, #tpu.memory_space<vmem>>, vector<1x16xf32>,
      %get3A_509 = vector.shape_cast %get3A_508 : vector<1x16xf32> to vector<16xf32>
      %shift_right_arithmetic3A_510 = arith.constant 15 : i32
      %shift_right_arithmetic3A_511 = vector.broadcast %shift_right_arithmetic3A_510 : i32 to vector<16xi32>
      %shift_right_arithmetic3A_512 = arith.shrsi %get3A_324, %shift_right_arithmetic3A_511 : vector<16xi32>
      %and3A_513 = arith.constant 7 : i32
      %and3A_514 = vector.broadcast %and3A_513 : i32 to vector<16xi32>
      %and3A_515 = arith.andi %shift_right_arithmetic3A_512, %and3A_514 : vector<16xi32>
      %or3A_516 = arith.constant 40 : i32
      %or3A_517 = vector.broadcast %or3A_516 : i32 to vector<16xi32>
      %or3A_518 = arith.ori %and3A_515, %or3A_517 : vector<16xi32>
      %shift_right_arithmetic3A_519 = arith.constant 15 : i32
      %shift_right_arithmetic3A_520 = vector.broadcast %shift_right_arithmetic3A_519 : i32 to vector<16xi32>
      %shift_right_arithmetic3A_521 = arith.shrsi %get3A_327, %shift_right_arithmetic3A_520 : vector<16xi32>
      %and3A_522 = arith.constant 7 : i32
      %and3A_523 = vector.broadcast %and3A_522 : i32 to vector<16xi32>
      %and3A_524 = arith.andi %shift_right_arithmetic3A_521, %and3A_523 : vector<16xi32>
      %or3A_525 = arith.constant 40 : i32
      %or3A_526 = vector.broadcast %or3A_525 : i32 to vector<16xi32>
      %or3A_527 = arith.ori %and3A_524, %or3A_526 : vector<16xi32>
      %gt3A_528 = arith.cmpf ogt, %get3A_504, %max3A_498 : vector<16xf32>
      %gt3A_529 = arith.cmpf ogt, %get3A_509, %max3A_498 : vector<16xf32>
      %select_n3A_530 = arith.select %gt3A_529, %or3A_527, %select_n3A_499 : vector<16xi1>, vector<16xi32>
      %gt3A_531 = arith.cmpf ogt, %get3A_504, %select_n3A_496 : vector<16xf32>
      %select_n3A_532 = arith.select %gt3A_531, %or3A_518, %select_n3A_497 : vector<16xi1>, vector<16xi32>
      %max3A_533 = arith.maximumf %max3A_498, %get3A_509 : vector<16xf32>
      %max3A_534 = arith.maximumf %select_n3A_496, %get3A_504 : vector<16xf32>
      %select_n3A_535 = arith.select %gt3A_528, %max3A_533, %max3A_534 : vector<16xi1>, vector<16xf32>
      %select_n3A_536 = arith.select %gt3A_528, %select_n3A_530, %select_n3A_532 : vector<16xi1>, vector<16xi32>
      %max3A_537 = arith.maximumf %max3A_498, %get3A_504 : vector<16xf32>
      %select_n3A_538 = arith.select %gt3A_528, %or3A_518, %select_n3A_499 : vector<16xi1>, vector<16xi32>
      %get3A_539 = arith.constant 6 : i32
      %get3A_540 = arith.index_cast %get3A_539 : i32 to index
      %get3A_541 = arith.index_cast %add3A_321 : i32 to index
      %get3A_542 = tpu.vector_load %arg6[%get3A_540, %get3A_541] {strides = array<i32>} : memref<16x1024xf32, #tpu.memory_space<vmem>>, vector<1x16xf32>,
      %get3A_543 = vector.shape_cast %get3A_542 : vector<1x16xf32> to vector<16xf32>
      %get3A_544 = arith.constant 14 : i32
      %get3A_545 = arith.index_cast %get3A_544 : i32 to index
      %get3A_546 = arith.index_cast %add3A_321 : i32 to index
      %get3A_547 = tpu.vector_load %arg6[%get3A_545, %get3A_546] {strides = array<i32>} : memref<16x1024xf32, #tpu.memory_space<vmem>>, vector<1x16xf32>,
      %get3A_548 = vector.shape_cast %get3A_547 : vector<1x16xf32> to vector<16xf32>
      %shift_right_arithmetic3A_549 = arith.constant 18 : i32
      %shift_right_arithmetic3A_550 = vector.broadcast %shift_right_arithmetic3A_549 : i32 to vector<16xi32>
      %shift_right_arithmetic3A_551 = arith.shrsi %get3A_324, %shift_right_arithmetic3A_550 : vector<16xi32>
      %and3A_552 = arith.constant 7 : i32
      %and3A_553 = vector.broadcast %and3A_552 : i32 to vector<16xi32>
      %and3A_554 = arith.andi %shift_right_arithmetic3A_551, %and3A_553 : vector<16xi32>
      %or3A_555 = arith.constant 48 : i32
      %or3A_556 = vector.broadcast %or3A_555 : i32 to vector<16xi32>
      %or3A_557 = arith.ori %and3A_554, %or3A_556 : vector<16xi32>
      %shift_right_arithmetic3A_558 = arith.constant 18 : i32
      %shift_right_arithmetic3A_559 = vector.broadcast %shift_right_arithmetic3A_558 : i32 to vector<16xi32>
      %shift_right_arithmetic3A_560 = arith.shrsi %get3A_327, %shift_right_arithmetic3A_559 : vector<16xi32>
      %and3A_561 = arith.constant 7 : i32
      %and3A_562 = vector.broadcast %and3A_561 : i32 to vector<16xi32>
      %and3A_563 = arith.andi %shift_right_arithmetic3A_560, %and3A_562 : vector<16xi32>
      %or3A_564 = arith.constant 48 : i32
      %or3A_565 = vector.broadcast %or3A_564 : i32 to vector<16xi32>
      %or3A_566 = arith.ori %and3A_563, %or3A_565 : vector<16xi32>
      %gt3A_567 = arith.cmpf ogt, %get3A_543, %max3A_537 : vector<16xf32>
      %gt3A_568 = arith.cmpf ogt, %get3A_548, %max3A_537 : vector<16xf32>
      %select_n3A_569 = arith.select %gt3A_568, %or3A_566, %select_n3A_538 : vector<16xi1>, vector<16xi32>
      %gt3A_570 = arith.cmpf ogt, %get3A_543, %select_n3A_535 : vector<16xf32>
      %select_n3A_571 = arith.select %gt3A_570, %or3A_557, %select_n3A_536 : vector<16xi1>, vector<16xi32>
      %max3A_572 = arith.maximumf %max3A_537, %get3A_548 : vector<16xf32>
      %max3A_573 = arith.maximumf %select_n3A_535, %get3A_543 : vector<16xf32>
      %select_n3A_574 = arith.select %gt3A_567, %max3A_572, %max3A_573 : vector<16xi1>, vector<16xf32>
      %select_n3A_575 = arith.select %gt3A_567, %select_n3A_569, %select_n3A_571 : vector<16xi1>, vector<16xi32>
      %max3A_576 = arith.maximumf %max3A_537, %get3A_543 : vector<16xf32>
      %select_n3A_577 = arith.select %gt3A_567, %or3A_557, %select_n3A_538 : vector<16xi1>, vector<16xi32>
      %get3A_578 = arith.constant 7 : i32
      %get3A_579 = arith.index_cast %get3A_578 : i32 to index
      %get3A_580 = arith.index_cast %add3A_321 : i32 to index
      %get3A_581 = tpu.vector_load %arg6[%get3A_579, %get3A_580] {strides = array<i32>} : memref<16x1024xf32, #tpu.memory_space<vmem>>, vector<1x16xf32>,
      %get3A_582 = vector.shape_cast %get3A_581 : vector<1x16xf32> to vector<16xf32>
      %get3A_583 = arith.constant 15 : i32
      %get3A_584 = arith.index_cast %get3A_583 : i32 to index
      %get3A_585 = arith.index_cast %add3A_321 : i32 to index
      %get3A_586 = tpu.vector_load %arg6[%get3A_584, %get3A_585] {strides = array<i32>} : memref<16x1024xf32, #tpu.memory_space<vmem>>, vector<1x16xf32>,
      %get3A_587 = vector.shape_cast %get3A_586 : vector<1x16xf32> to vector<16xf32>
      %shift_right_arithmetic3A_588 = arith.constant 21 : i32
      %shift_right_arithmetic3A_589 = vector.broadcast %shift_right_arithmetic3A_588 : i32 to vector<16xi32>
      %shift_right_arithmetic3A_590 = arith.shrsi %get3A_324, %shift_right_arithmetic3A_589 : vector<16xi32>
      %and3A_591 = arith.constant 7 : i32
      %and3A_592 = vector.broadcast %and3A_591 : i32 to vector<16xi32>
      %and3A_593 = arith.andi %shift_right_arithmetic3A_590, %and3A_592 : vector<16xi32>
      %or3A_594 = arith.constant 56 : i32
      %or3A_595 = vector.broadcast %or3A_594 : i32 to vector<16xi32>
      %or3A_596 = arith.ori %and3A_593, %or3A_595 : vector<16xi32>
      %shift_right_arithmetic3A_597 = arith.constant 21 : i32
      %shift_right_arithmetic3A_598 = vector.broadcast %shift_right_arithmetic3A_597 : i32 to vector<16xi32>
      %shift_right_arithmetic3A_599 = arith.shrsi %get3A_327, %shift_right_arithmetic3A_598 : vector<16xi32>
      %and3A_600 = arith.constant 7 : i32
      %and3A_601 = vector.broadcast %and3A_600 : i32 to vector<16xi32>
      %and3A_602 = arith.andi %shift_right_arithmetic3A_599, %and3A_601 : vector<16xi32>
      %or3A_603 = arith.constant 56 : i32
      %or3A_604 = vector.broadcast %or3A_603 : i32 to vector<16xi32>
      %or3A_605 = arith.ori %and3A_602, %or3A_604 : vector<16xi32>
      %gt3A_606 = arith.cmpf ogt, %get3A_582, %max3A_576 : vector<16xf32>
      %gt3A_607 = arith.cmpf ogt, %get3A_587, %max3A_576 : vector<16xf32>
      %select_n3A_608 = arith.select %gt3A_607, %or3A_605, %select_n3A_577 : vector<16xi1>, vector<16xi32>
      %gt3A_609 = arith.cmpf ogt, %get3A_582, %select_n3A_574 : vector<16xf32>
      %select_n3A_610 = arith.select %gt3A_609, %or3A_596, %select_n3A_575 : vector<16xi1>, vector<16xi32>
      %max3A_611 = arith.maximumf %max3A_576, %get3A_587 : vector<16xf32>
      %max3A_612 = arith.maximumf %select_n3A_574, %get3A_582 : vector<16xf32>
      %select_n3A_613 = arith.select %gt3A_606, %max3A_611, %max3A_612 : vector<16xi1>, vector<16xf32>
      %select_n3A_614 = arith.select %gt3A_606, %select_n3A_608, %select_n3A_610 : vector<16xi1>, vector<16xi32>
      %max3A_615 = arith.maximumf %max3A_576, %get3A_582 : vector<16xf32>
      %select_n3A_616 = arith.select %gt3A_606, %or3A_596, %select_n3A_577 : vector<16xi1>, vector<16xi32>
      %sub3A_617 = arith.subf %select_n3A_613, %max3A_615 : vector<16xf32>
      %exp3A_618 = math.exp %sub3A_617 : vector<16xf32>
      %add3A_619 = arith.constant 1.000000e+00 : f32
      %add3A_620 = vector.broadcast %add3A_619 : f32 to vector<16xf32>
      %add3A_621 = arith.addf %add3A_620, %exp3A_618 : vector<16xf32>
      %div3A_622 = arith.constant 1.000000e+00 : f32
      %div3A_623 = vector.broadcast %div3A_622 : f32 to vector<16xf32>
      %div3A_624 = arith.divf %div3A_623, %add3A_621 : vector<16xf32>
      %mul3A_625 = arith.constant 5.242870e+05 : f32
      %mul3A_626 = vector.broadcast %mul3A_625 : f32 to vector<16xf32>
      %mul3A_627 = arith.mulf %div3A_624, %mul3A_626 : vector<16xf32>
      %convert_element_type3A_628 = arith.fptosi %mul3A_627 : vector<16xf32> to vector<16xi32>
      %shift_left3A_629 = arith.constant 25 : i32
      %shift_left3A_630 = vector.broadcast %shift_left3A_629 : i32 to vector<16xi32>
      %shift_left3A_631 = arith.shli %select_n3A_616, %shift_left3A_630 : vector<16xi32>
      %shift_left3A_632 = arith.constant 19 : i32
      %shift_left3A_633 = vector.broadcast %shift_left3A_632 : i32 to vector<16xi32>
      %shift_left3A_634 = arith.shli %select_n3A_614, %shift_left3A_633 : vector<16xi32>
      %or3A_635 = arith.ori %shift_left3A_631, %shift_left3A_634 : vector<16xi32>
      %or3A_636 = arith.ori %or3A_635, %convert_element_type3A_628 : vector<16xi32>
      %swap3A_637 = arith.index_cast %add3A_321 : i32 to index
      %swap3A_638 = tpu.vector_load %arg9[%swap3A_637] {strides = array<i32>} : memref<1024xi32, #tpu.memory_space<vmem>>, vector<16xi32>,
      %swap3A_639 = vector.shape_cast %swap3A_638 : vector<16xi32> to vector<16xi32>
      %swap3A_640 = vector.shape_cast %or3A_636 : vector<16xi32> to vector<16xi32>
      tpu.vector_store %arg9[%swap3A_637], %swap3A_640 {strides = array<i32>} : memref<1024xi32, #tpu.memory_space<vmem>>, vector<16xi32>,
    }
    %scan3A_8 = arith.constant 32 : i32
    "tpu.region"() ({
      %run_scoped3A_9 = tpu.sem_alloc : memref<!tpu.dma_semaphore, #tpu.memory_space<semaphore_mem>>
      %dma_start3A = tpu.memref_slice %arg5[%mul3A_2] : memref<32768xi32, #tpu.memory_space<hbm>> -> memref<1024xi32, #tpu.memory_space<hbm>>
      %dma_start3A_10 = tpu.memref_slice %arg5[%mul3A_2] : memref<32768xi32, #tpu.memory_space<hbm>> -> memref<1024xi32, #tpu.memory_space<hbm>>
      tpu.enqueue_dma source(%arg9 : memref<1024xi32, #tpu.memory_space<vmem>>) target(%dma_start3A_10 : memref<1024xi32, #tpu.memory_space<hbm>>) target_semaphore(%run_scoped3A_9 : memref<!tpu.dma_semaphore, #tpu.memory_space<semaphore_mem>>)
      %dma_wait3A = tpu.memref_slice %arg5[%mul3A_2] : memref<32768xi32, #tpu.memory_space<hbm>> -> memref<1024xi32, #tpu.memory_space<hbm>>
      %dma_wait3A_11 = tpu.memref_slice %arg5[%mul3A_2] : memref<32768xi32, #tpu.memory_space<hbm>> -> memref<1024xi32, #tpu.memory_space<hbm>>
      tpu.wait_dma2 semaphore(%run_scoped3A_9 : memref<!tpu.dma_semaphore, #tpu.memory_space<semaphore_mem>>) src(%arg9 : memref<1024xi32, #tpu.memory_space<vmem>>) dst(%dma_wait3A_11 : memref<1024xi32, #tpu.memory_space<hbm>>)
      tpu.yield
    }) : () -> ()
    return
  }
}

module attributes {stable_mosaic.version = 14 : i64} {
  func.func @_logits_block(%arg0: i32, %arg1: memref<8192x128xf32, #tpu.memory_space<vmem>>, %arg2: memref<128x256xf32, #tpu.memory_space<vmem>>, %arg3: memref<256x128xf32, #tpu.memory_space<vmem>>, %arg4: memref<128x64xf32, #tpu.memory_space<vmem>>, %arg5: memref<16x8192xf32, #tpu.memory_space<vmem>>, %arg6: memref<1x8192xi32, #tpu.memory_space<vmem>>, %arg7: memref<1x8192xi32, #tpu.memory_space<vmem>>) attributes {dimension_semantics = [#tpu.dimension_semantics<parallel>], iteration_bounds = array<i64: 4>, scalar_prefetch = 0 : i64, scratch_operands = 0 : i64, tpu.core_type = #tpu.core_type<tc>, window_params = [{transform_indices = @transform_0, window_bounds = array<i64: 8192, 128>}, {pipeline_mode = #tpu.pipeline_mode<synchronous>, transform_indices = @transform_1, window_bounds = array<i64: 128, 256>}, {pipeline_mode = #tpu.pipeline_mode<synchronous>, transform_indices = @transform_2, window_bounds = array<i64: 256, 128>}, {pipeline_mode = #tpu.pipeline_mode<synchronous>, transform_indices = @transform_3, window_bounds = array<i64: 128, 64>}, {transform_indices = @transform_4, window_bounds = array<i64: 16, 8192>}, {transform_indices = @transform_5, window_bounds = array<i64: 1, 8192>}, {transform_indices = @transform_6, window_bounds = array<i64: 1, 8192>}]} {
    %get3A = arith.constant 0 : index
    %get3A_0 = arith.constant 0 : index
    %get3A_1 = vector.load %arg1[%get3A, %get3A_0] : memref<8192x128xf32, #tpu.memory_space<vmem>>, vector<8192x128xf32>
    %get3A_2 = arith.constant 0 : index
    %get3A_3 = arith.constant 0 : index
    %get3A_4 = vector.load %arg2[%get3A_2, %get3A_3] : memref<128x256xf32, #tpu.memory_space<vmem>>, vector<128x256xf32>
    %dot_general3A = arith.constant dense<0.000000e+00> : vector<8192x256xf32>
    %dot_general3A_5 = tpu.matmul %get3A_1, %get3A_4, %dot_general3A {dimension_numbers = #tpu.dot_dimension_numbers<[1], [0], [0], [1], [0, 0, 1, 1], [], []>, transpose_lhs_hint = false} : vector<8192x128xf32>, vector<128x256xf32>, vector<8192x256xf32> -> vector<8192x256xf32>
    %mul3A = arith.constant 5.000000e-01 : f32
    %mul3A_6 = vector.broadcast %mul3A : f32 to vector<8192x256xf32>
    %mul3A_7 = arith.mulf %mul3A_6, %dot_general3A_5 : vector<8192x256xf32>
    %mul3A_8 = arith.constant 0.707106769 : f32
    %mul3A_9 = vector.broadcast %mul3A_8 : f32 to vector<8192x256xf32>
    %mul3A_10 = arith.mulf %dot_general3A_5, %mul3A_9 : vector<8192x256xf32>
    %erf3A = math.erf %mul3A_10 : vector<8192x256xf32>
    %add3A = arith.constant 1.000000e+00 : f32
    %add3A_11 = vector.broadcast %add3A : f32 to vector<8192x256xf32>
    %add3A_12 = arith.addf %add3A_11, %erf3A : vector<8192x256xf32>
    %mul3A_13 = arith.mulf %mul3A_7, %add3A_12 : vector<8192x256xf32>
    %get3A_14 = arith.constant 0 : index
    %get3A_15 = arith.constant 0 : index
    %get3A_16 = vector.load %arg3[%get3A_14, %get3A_15] : memref<256x128xf32, #tpu.memory_space<vmem>>, vector<256x128xf32>
    %dot_general3A_17 = arith.constant dense<0.000000e+00> : vector<8192x128xf32>
    %dot_general3A_18 = tpu.matmul %mul3A_13, %get3A_16, %dot_general3A_17 {dimension_numbers = #tpu.dot_dimension_numbers<[1], [0], [0], [1], [0, 0, 1, 1], [], []>, transpose_lhs_hint = false} : vector<8192x256xf32>, vector<256x128xf32>, vector<8192x128xf32> -> vector<8192x128xf32>
    %mul3A_19 = arith.constant 5.000000e-01 : f32
    %mul3A_20 = vector.broadcast %mul3A_19 : f32 to vector<8192x128xf32>
    %mul3A_21 = arith.mulf %mul3A_20, %dot_general3A_18 : vector<8192x128xf32>
    %mul3A_22 = arith.constant 0.707106769 : f32
    %mul3A_23 = vector.broadcast %mul3A_22 : f32 to vector<8192x128xf32>
    %mul3A_24 = arith.mulf %dot_general3A_18, %mul3A_23 : vector<8192x128xf32>
    %erf3A_25 = math.erf %mul3A_24 : vector<8192x128xf32>
    %add3A_26 = arith.constant 1.000000e+00 : f32
    %add3A_27 = vector.broadcast %add3A_26 : f32 to vector<8192x128xf32>
    %add3A_28 = arith.addf %add3A_27, %erf3A_25 : vector<8192x128xf32>
    %mul3A_29 = arith.mulf %mul3A_21, %add3A_28 : vector<8192x128xf32>
    %get3A_30 = arith.constant 0 : index
    %get3A_31 = arith.constant 0 : index
    %get3A_32 = vector.load %arg4[%get3A_30, %get3A_31] : memref<128x64xf32, #tpu.memory_space<vmem>>, vector<128x64xf32>
    %dot_general3A_33 = arith.constant dense<0.000000e+00> : vector<64x8192xf32>
    %dot_general3A_34 = tpu.matmul %get3A_32, %mul3A_29, %dot_general3A_33 {dimension_numbers = #tpu.dot_dimension_numbers<[0], [1], [1], [0], [0, 1, 1, 0], [], []>, transpose_lhs_hint = false} : vector<128x64xf32>, vector<8192x128xf32>, vector<64x8192xf32> -> vector<64x8192xf32>
    %reshape3A = vector.shape_cast %dot_general3A_34 : vector<64x8192xf32> to vector<8x8x8192xf32>
    %iota3A = tpu.iota {dimensions = array<i32: 1>} : vector<8x8x8192xi32>
    %reduce_max3A = arith.constant dense<0xFF800000> : vector<8x8192xf32>
    %reduce_max3A_35 = vector.multi_reduction <maximumf>, %reshape3A, %reduce_max3A [1] : vector<8x8x8192xf32> to vector<8x8192xf32>
    %broadcast_in_dim3A = vector.shape_cast %reduce_max3A_35 : vector<8x8192xf32> to vector<8x1x8192xf32>
    %eq3A = vector.broadcast %broadcast_in_dim3A : vector<8x1x8192xf32> to vector<8x8x8192xf32>
    %eq3A_36 = arith.cmpf oeq, %reshape3A, %eq3A : vector<8x8x8192xf32>
    %jit3A = arith.constant 8 : i32
    %broadcast_in_dim3A_37 = vector.broadcast %jit3A : i32 to vector<8x8x8192xi32>
    %select_n3A = arith.select %eq3A_36, %iota3A, %broadcast_in_dim3A_37 : vector<8x8x8192xi1>, vector<8x8x8192xi32>
    %reduce_min3A = arith.constant dense<2147483647> : vector<8x8192xi32>
    %reduce_min3A_38 = vector.multi_reduction <minsi>, %select_n3A, %reduce_min3A [1] : vector<8x8x8192xi32> to vector<8x8192xi32>
    %broadcast_in_dim3A_39 = vector.shape_cast %reduce_min3A_38 : vector<8x8192xi32> to vector<8x1x8192xi32>
    %eq3A_40 = vector.broadcast %broadcast_in_dim3A_39 : vector<8x1x8192xi32> to vector<8x8x8192xi32>
    %eq3A_41 = arith.cmpi eq, %iota3A, %eq3A_40 : vector<8x8x8192xi32>
    %jit3A_42 = arith.constant 0xFF800000 : f32
    %broadcast_in_dim3A_43 = vector.broadcast %jit3A_42 : f32 to vector<8x8x8192xf32>
    %select_n3A_44 = arith.select %eq3A_41, %broadcast_in_dim3A_43, %reshape3A : vector<8x8x8192xi1>, vector<8x8x8192xf32>
    %reduce_max3A_45 = arith.constant dense<0xFF800000> : vector<8x8192xf32>
    %reduce_max3A_46 = vector.multi_reduction <maximumf>, %select_n3A_44, %reduce_max3A_45 [1] : vector<8x8x8192xf32> to vector<8x8192xf32>
    %broadcast_in_dim3A_47 = vector.shape_cast %reduce_max3A_46 : vector<8x8192xf32> to vector<8x1x8192xf32>
    %eq3A_48 = vector.broadcast %broadcast_in_dim3A_47 : vector<8x1x8192xf32> to vector<8x8x8192xf32>
    %eq3A_49 = arith.cmpf oeq, %select_n3A_44, %eq3A_48 : vector<8x8x8192xf32>
    %jit3A_50 = arith.constant 8 : i32
    %broadcast_in_dim3A_51 = vector.broadcast %jit3A_50 : i32 to vector<8x8x8192xi32>
    %select_n3A_52 = arith.select %eq3A_49, %iota3A, %broadcast_in_dim3A_51 : vector<8x8x8192xi1>, vector<8x8x8192xi32>
    %reduce_min3A_53 = arith.constant dense<2147483647> : vector<8x8192xi32>
    %reduce_min3A_54 = vector.multi_reduction <minsi>, %select_n3A_52, %reduce_min3A_53 [1] : vector<8x8x8192xi32> to vector<8x8192xi32>
    %concatenate3A = tpu.concatenate %reduce_max3A_35, %reduce_max3A_46 in 0 : vector<8x8192xf32>, vector<8x8192xf32> -> vector<16x8192xf32>
    %swap3A = arith.constant 0 : index
    %swap3A_55 = arith.constant 0 : index
    %swap3A_56 = vector.load %arg5[%swap3A, %swap3A_55] : memref<16x8192xf32, #tpu.memory_space<vmem>>, vector<16x8192xf32>
    tpu.vector_store %arg5[%swap3A, %swap3A_55], %concatenate3A {strides = array<i32>} : memref<16x8192xf32, #tpu.memory_space<vmem>>, vector<16x8192xf32>,
    %iota3A_57 = tpu.iota {dimensions = array<i32: 0>} : vector<8x8192xi32>
    %mul3A_58 = arith.constant 3 : i32
    %mul3A_59 = vector.broadcast %mul3A_58 : i32 to vector<8x8192xi32>
    %mul3A_60 = arith.muli %mul3A_59, %iota3A_57 : vector<8x8192xi32>
    %shift_left3A = arith.shli %reduce_min3A_38, %mul3A_60 : vector<8x8192xi32>
    %reduce_sum3A = arith.constant dense<0> : vector<8192xi32>
    %reduce_sum3A_61 = vector.multi_reduction <add>, %shift_left3A, %reduce_sum3A [0] : vector<8x8192xi32> to vector<8192xi32>
    %broadcast_in_dim3A_62 = vector.shape_cast %reduce_sum3A_61 : vector<8192xi32> to vector<1x8192xi32>
    %swap3A_63 = arith.constant 0 : index
    %swap3A_64 = arith.constant 0 : index
    %swap3A_65 = vector.load %arg6[%swap3A_63, %swap3A_64] : memref<1x8192xi32, #tpu.memory_space<vmem>>, vector<1x8192xi32>
    tpu.vector_store %arg6[%swap3A_63, %swap3A_64], %broadcast_in_dim3A_62 {strides = array<i32>} : memref<1x8192xi32, #tpu.memory_space<vmem>>, vector<1x8192xi32>,
    %shift_left3A_66 = arith.shli %reduce_min3A_54, %mul3A_60 : vector<8x8192xi32>
    %reduce_sum3A_67 = arith.constant dense<0> : vector<8192xi32>
    %reduce_sum3A_68 = vector.multi_reduction <add>, %shift_left3A_66, %reduce_sum3A_67 [0] : vector<8x8192xi32> to vector<8192xi32>
    %broadcast_in_dim3A_69 = vector.shape_cast %reduce_sum3A_68 : vector<8192xi32> to vector<1x8192xi32>
    %swap3A_70 = arith.constant 0 : index
    %swap3A_71 = arith.constant 0 : index
    %swap3A_72 = vector.load %arg7[%swap3A_70, %swap3A_71] : memref<1x8192xi32, #tpu.memory_space<vmem>>, vector<1x8192xi32>
    tpu.vector_store %arg7[%swap3A_70, %swap3A_71], %broadcast_in_dim3A_69 {strides = array<i32>} : memref<1x8192xi32, #tpu.memory_space<vmem>>, vector<1x8192xi32>,
    return
  }
  func.func @transform_0(%arg0: i32) -> (i32, i32) {
    %c0_i32 = arith.constant 0 : i32
    %c0_i32_0 = arith.constant 0 : i32
    return %arg0, %c0_i32 : i32, i32
  }
  func.func @transform_1(%arg0: i32) -> (i32, i32) {
    %c0_i32 = arith.constant 0 : i32
    %c0_i32_0 = arith.constant 0 : i32
    %c0_i32_1 = arith.constant 0 : i32
    return %c0_i32, %c0_i32_0 : i32, i32
  }
  func.func @transform_2(%arg0: i32) -> (i32, i32) {
    %c0_i32 = arith.constant 0 : i32
    %c0_i32_0 = arith.constant 0 : i32
    %c0_i32_1 = arith.constant 0 : i32
    return %c0_i32, %c0_i32_0 : i32, i32
  }
  func.func @transform_3(%arg0: i32) -> (i32, i32) {
    %c0_i32 = arith.constant 0 : i32
    %c0_i32_0 = arith.constant 0 : i32
    %c0_i32_1 = arith.constant 0 : i32
    return %c0_i32, %c0_i32_0 : i32, i32
  }
  func.func @transform_4(%arg0: i32) -> (i32, i32) {
    %c0_i32 = arith.constant 0 : i32
    %c0_i32_0 = arith.constant 0 : i32
    return %c0_i32, %arg0 : i32, i32
  }
  func.func @transform_5(%arg0: i32) -> (i32, i32) {
    %c0_i32 = arith.constant 0 : i32
    %c0_i32_0 = arith.constant 0 : i32
    return %c0_i32, %arg0 : i32, i32
  }
  func.func @transform_6(%arg0: i32) -> (i32, i32) {
    %c0_i32 = arith.constant 0 : i32
    %c0_i32_0 = arith.constant 0 : i32
    return %c0_i32, %arg0 : i32, i32
  }
}

</mosaic_0001>

<sc_bundles>
// kernel: kernel.4.cloned.1.call-start
scs
__scs_entry_jumppad:
0x0: {  	(pc) =	sbr.rel $0x88, $3  }
0x1: {  	(tag) =	ssettag $0x0;
	lr =	simm.s32 $0x1  }
0x2: {  	[smem:$0x3F9D] =	sst lr;
	_ =	strace $0xD0000000  }
0x3: {  	_ = 	snop  }
0x4: {  	_ = 	snop  }
0x5: {  	_ = 	snop  }
0x6: {  	_ = 	snop  }
0x7: {  	_ = 	snop  }
__scs_overlays_trampoline_lowered:
0x8: {  	[smem:$0x3FAC] =	sst s0  }
0x9: {  	[smem:$0x3FAD] =	sst s1  }
0xa: {  	[smem:$0x3FAE] =	sst s2  }
0xb: {  	[smem:$0x3FAF] =	sst s3  }
0xc: {  	[smem:$0x3FB0] =	sst s4  }
0xd: {  	[smem:$0x3FB1] =	sst s5  }
0xe: {  	[smem:$0x3FB2] =	sst s6  }
0xf: {  	[smem:$0x3FB3] =	sst s7  }
0x10: {  	[smem:$0x3FB4] =	sst s8  }
0x11: {  	[smem:$0x3FB5] =	sst s9;
	s0 =	simm.s32 @!p0 $0x0  }
0x12: {  	s1 =	sld [smem:$0x3F9B];
	s0 =	simm.s32 @p0 $0x1  }
0x13: {  	[smem:$0x3FB6] =	sst s0;
	s0 =	simm.s32 @!p1 $0x0  }
0x14: {  	s2 =	sld [smem:$0x3F9A];
	s0 =	simm.s32 @p1 $0x1  }
0x15: {  	[smem:$0x3FB7] =	sst s0;
	s0 =	simm.s32 @!p2 $0x0  }
0x16: {  	s3 =	sld [smem:$0x3FDB];
	s0 =	simm.s32 @p2 $0x1  }
0x17: {  	s4 =	simm.s32 $0x1BF5;
	[smem:$0x3FB9] =	sst s0  }
0x18: {  	s0 =	sld [smem:$0x3F9C];
	_ =	swait.ge [sflag:s4], $0x0  }
0x19: {  	s7 =	sld [smem:$0x3F9D]  }
0x1a: {  	s8 =	sadd.s32 $0xFFFFE003, lr  }
0x1b: {  	s9 =	sadd.s32 $0xFFFFFEF7, lr;
	s5 =	simm.s32 $0xFFFFFFFF;
	p2 =	slt.u32 s8, $0xFFFFF086  }
0x1c: {  	p1 =	slt.u32 s9, $0xF7A;
	s5 =	simm.s32 @!p2 $0x0  }
0x1d: {  	s5 =	simm.s32 @p1 $0x1;
	p0 =	seq.s32 s7, s2  }
0x1e: {  	s7 =	smul.u32 @!p0 $0xF7A, s2;
	p2 =	seq.s32 @!p0 s5, $0x0  }
0x1f: {  	s9 =	smul.u32 $0xF7A, s1;
	s8 =	simm.s32 @!p0 $0x1BF5;
	p2 =	por !p2, p0  }
0x20: {  	[sflag:s8] =	ssyncset.s32 @!p0 $0xFFFFF086;
	s6 =	sadd.s32 @!p0 s3, s7;
	s7 =	simm.s32 @!p0 $0x108  }
0x21: {  	s3 =	sadd.s32 s3, s9;
	s6 =	sadd.s32 @!p0 $0x88, s6;
	s7 =	simm.s32 @p2 $0x1082  }
0x22: {  	[simem:s7], [sflag:s8] =	dma.local @!p0 [hbm:s6], $0xF7A  }
0x23: {  	s9 =	sor.u32 $0xD0000000, s2;
	s6 =	simm.s32 $0x108;
	_ =	swait.ge @!p0 [sflag:s8], $0x0  }
0x24: {  	s3 =	sadd.s32 $0x88, s3;
	s6 =	simm.s32 @!p1 $0x1082;
	[sflag:s4] =	ssyncset.s32 $0xFFFFF086  }
0x25: {  	[simem:s6], [sflag:s4] =	dma.local [hbm:s3], $0xF7A  }
0x26: {  	[smem:$0x3F9D] =	sst s1;
	(tag) =	ssettag s2;
	_ =	strace s9  }
0x27: {  	s1 =	sld [smem:$0x3FAD]  }
0x28: {  	s2 =	sld [smem:$0x3FAE]  }
0x29: {  	s4 =	sld [smem:$0x3FB0]  }
0x2a: {  	p0 =	seq.s32 s5, $0x0;
	s5 =	sld [smem:$0x3FB1]  }
0x2b: {  	s6 =	sld [smem:$0x3FB2]  }
0x2c: {  	s7 =	sld [smem:$0x3FB3]  }
0x2d: {  	s3 =	simm.s32 $0x108;
	s8 =	sld [smem:$0x3FB4]  }
0x2e: {  	s3 =	simm.s32 @!p0 $0x1082;
	s9 =	sld [smem:$0x3FB5]  }
0x2f: {  	lr =	sadd.s32 s0, s3;
	s0 =	sld [smem:$0x3FAC]  }
0x30: {  	s3 =	sld [smem:$0x3FAF]  }
0x31: {  	[smem:$0x3FB8] =	sst s10  }
0x32: {  	s10 =	sld [smem:$0x3FB6];
	_ =	sdelay $0x3  }
0x33: {  	p0 =	seq.s32 s10, $0x1;
	s10 =	sld [smem:$0x3FB8];
	_ =	sdelay $0x3  }
0x34: {  	[smem:$0x3FB8] =	sst s10  }
0x35: {  	s10 =	sld [smem:$0x3FB7];
	_ =	sdelay $0x3  }
0x36: {  	p1 =	seq.s32 s10, $0x1;
	s10 =	sld [smem:$0x3FB8];
	_ =	sdelay $0x3  }
0x37: {  	[smem:$0x3FB8] =	sst s10  }
0x38: {  	s10 =	sld [smem:$0x3FB9]  }
0x39: {  	_ = 	snop;
	(pc) =	sbr.ind lr, $3  }
0x3a: {  	_ = 	snop  }
0x3b: {  	_ = 	snop  }
0x3c: {  	p2 =	seq.s32 s10, $0x1;
	s10 =	sld [smem:$0x3FB8]  }
0x3d: {  	_ =	shalt  }
0x3e: {  	_ =	shalt  }
0x3f: {  	_ =	shalt  }
0x40: {  	_ =	shalt  }
0x41: {  	_ =	shalt  }
0x42: {  	_ =	shalt  }
0x43: {  	_ =	shalt  }
0x44: {  	_ =	shalt  }
0x45: {  	_ =	shalt  }
0x46: {  	_ =	shalt  }
0x47: {  	_ =	shalt  }
0x48: {  	_ =	shalt  }
0x49: {  	_ =	shalt  }
0x4a: {  	_ =	shalt  }
0x4b: {  	_ =	shalt  }
0x4c: {  	_ =	shalt  }
0x4d: {  	_ =	shalt  }
0x4e: {  	_ =	shalt  }
0x4f: {  	_ =	shalt  }
0x50: {  	_ =	shalt  }
0x51: {  	_ =	shalt  }
0x52: {  	_ =	shalt  }
0x53: {  	_ =	shalt  }
0x54: {  	_ =	shalt  }
0x55: {  	_ =	shalt  }
0x56: {  	_ =	shalt  }
0x57: {  	_ =	shalt  }
0x58: {  	_ =	shalt  }
0x59: {  	_ =	shalt  }
0x5a: {  	_ =	shalt  }
0x5b: {  	_ =	shalt  }
0x5c: {  	_ =	shalt  }
0x5d: {  	_ =	shalt  }
0x5e: {  	_ =	shalt  }
0x5f: {  	_ =	shalt  }
0x60: {  	_ =	shalt  }
0x61: {  	_ =	shalt  }
0x62: {  	_ =	shalt  }
0x63: {  	_ =	shalt  }
0x64: {  	_ =	shalt  }
0x65: {  	_ =	shalt  }
0x66: {  	_ =	shalt  }
0x67: {  	_ =	shalt  }
0x68: {  	_ =	shalt  }
0x69: {  	_ =	shalt  }
0x6a: {  	_ =	shalt  }
0x6b: {  	_ =	shalt  }
0x6c: {  	_ =	shalt  }
0x6d: {  	_ =	shalt  }
0x6e: {  	_ =	shalt  }
0x6f: {  	_ =	shalt  }
0x70: {  	_ =	shalt  }
0x71: {  	_ =	shalt  }
0x72: {  	_ =	shalt  }
0x73: {  	_ =	shalt  }
0x74: {  	_ =	shalt  }
0x75: {  	_ =	shalt  }
0x76: {  	_ =	shalt  }
0x77: {  	_ =	shalt  }
0x78: {  	_ =	shalt  }
0x79: {  	_ =	shalt  }
0x7a: {  	_ =	shalt  }
0x7b: {  	_ =	shalt  }
0x7c: {  	_ =	shalt  }
0x7d: {  	_ =	shalt  }
0x7e: {  	_ =	shalt  }
0x7f: {  	_ =	shalt  }
0x80: {  	_ =	shalt  }
0x81: {  	_ =	shalt  }
0x82: {  	_ =	shalt  }
0x83: {  	_ =	shalt  }
0x84: {  	_ =	shalt  }
0x85: {  	_ =	shalt  }
0x86: {  	_ =	shalt  }
0x87: {  	_ =	shalt  }
.Lfunc_end0:
.L_simem_size_0:
called_computation_lowered:
.L_overlay_start_0:
0x88: {  	s2 =	sld [smem:$0x3FD9]  }
0x89: {  	s3 =	sld [smem:$0x3FFE];
	_ =	sdelay $0x1  }
0x8a: {  	s1 =	srdreg.scid  }
0x8b: {  	s0 =	sand.u32 $0x1, s1  }
0x8c: {  	s14 =	sshll.u32 s0, $0xA;
	s2 =	sadd.s32 s3, s2  }
0x8d: {  	s2 =	sadd.s32 s2, s14  }
0x8e: {  	[smem:$0x3FC4] =	sst s2  }
0x8f: {  	_ = 	snop  }
0x90: {  	s2 =	sld [smem:$0x3FD0];
	_ =	sdelay $0x2  }
0x91: {  	s15 =	simm.s32 $0xA;
	s4 =	simm.s32 $0x10  }
0x92: {  	[smem:s4], [sflag:s15] =	dma.local [hbm:s2], $0x1  }
0x93: {  	_ =	swait.eq [sflag:s15], $0x1  }
0x94: {  	[sflag:s15] =	ssyncset.done $0x0  }
0x95: {  	s16 =	sld [smem:$0x10];
	[sflag:s15] =	ssyncadd.s32 $0xFFFFFFFF  }
0x96: {  	s17 =	sld [smem:$0x11];
	(tm) =	ssettm $0x1  }
0x97: {  	s18 =	sld [smem:$0x3FFB];
	_ =	sdelay $0x3  }
0x98: {  	_ =	strace s18  }
0x99: {  	s4 =	sld [smem:$0x3FFC];
	_ =	sdelay $0x3  }
0x9a: {  	_ =	strace s4  }
0x9b: {  	s4 =	sld [smem:$0x3FFD];
	_ =	sdelay $0x3  }
0x9c: {  	_ =	strace s4  }
0x9d: {  	_ =	strace $0x8FFFFFFF  }
0x9e: {  	s19 =	sld [smem:$0x3FDB];
	_ =	sdelay $0x1  }
0x9f: {  	s5 =	simm.s32 $_scs_section_size  }
0xa0: {  	s6 =	simm.s32 $_size__tile_overlayer_lowered;
	s7 =	simm.s32 $_tile_overlayer_lowered  }
0xa1: {  	s22 =	simm.s32 $0x1BFF;
	s21 =	sshll.u32 s7, $0x1;
	s4 =	sadd.s32 s5, s19  }
0xa2: {  	s8 =	simm.s32 $0x0;
	s20 =	sshll.u32 s6, $0x1;
	s6 =	sadd.s32 s21, s4  }
0xa3: {  	[timem:s8], [sflag:s22] =	dma.local [hbm:s6], s20  }
0xa4: {  	_ =	swait.ge [sflag:s22], s20  }
0xa5: {  	s5 =	ssub.s32 $0x0, s20;
	[sflag:s22] =	ssyncset.done $0x0  }
0xa6: {  	[sflag:s22] =	ssyncadd.s32 s5;
	_ =	sdelay $0x1  }
0xa7: {  	s23 =	simm.s32 $0x1B8B  }
0xa8: {  	_ =	swait.ge [sflag:s23], $0x1  }
0xa9: {  	[sflag:s23] =	ssyncset.done $0x0  }
0xaa: {  	s25 =	simm.s32 $0x1B8E;
	s24 =	sld [smem:$0x3FFE];
	[sflag:s23] =	ssyncadd.s32 $0xFFFFFFFF  }
0xab: {  	s26 =	simm.s32 $execute0_lowered;
	[smem:$0x3FD2] =	sst s25  }
0xac: {  	s6 =	sshll.u32 s26, $0x1;
	_ =	strace $0x80000046;
	[dreg:$0x1] =	wrdreg $0xFFFFFFFF  }
0xad: {  	s28 =	simm.s32 $_size_execute0_lowered;
	s4 =	sadd.s32 s4, s6;
	[dreg:$0x0] =	wrdreg $0x0  }
0xae: {  	s6 =	sshll.u32 s28, $0x1;
	[dreg:$0x2] =	wrdreg s4  }
0xaf: {  	[dreg:$0x3] =	wrdreg s6  }
0xb0: {  	[dreg:$0x4] =	wrdreg $0xC0  }
0xb1: {  	_ =	task [dreg:s8], $0x5FFFF  }
0xb2: {  	[dreg:$0x1] =	wrdreg $0xFFFFFFFF  }
0xb3: {  	[dreg:$0x0] =	wrdreg $0x60  }
0xb4: {  	[dreg:$0x2] =	wrdreg s24  }
0xb5: {  	[dreg:$0x3] =	wrdreg s17  }
0xb6: {  	[dreg:$0x4] =	wrdreg s16  }
0xb7: {  	[dreg:$0x5] =	wrdreg $0x9  }
0xb8: {  	_ =	task.clear_ibuf [dreg:s8], $0x6FFFF;
	_ =	strace $0x90000046  }
0xb9: {  	s29 =	simm.s32 $0x9;
	_ =	strace $0x80000048  }
0xba: {  	_ =	swait.ge [sflag:s29], $0x1  }
0xbb: {  	[sflag:s29] =	ssyncadd.s32 $0xFFFFFFFF  }
0xbc: {  	_ =	strace $0x90000048  }
0xbd: {  	_ =	sfence  }
0xbe: {  	s30 =	sld [smem:$0x0];
	_ =	sdelay $0x2  }
0xbf: {  	s31 =	sshll.u32 s1, $0xD;
	s1 =	sshrl.u32 s1, $0x2  }
0xc0: {  	s3 =	sand.u32 $0x4000, s31;
	s1 =	sadd.s32 s1, s30  }
0xc1: {  	s0 =	sor.u32 s3, s0;
	s1 =	sshll.u32 s1, $0x11  }
0xc2: {  	s0 =	sor.u32 s1, s0  }
0xc3: {  	s0 =	sadd.s32 $0x8F2B, s0  }
0xc4: {  	[sflag:s0] =	ssyncadd.remote.s32 $0x1  }
0xc5: {  	_ =	sfence.sel $0xFFFF  }
0xc6: {  	[dreg:$0x0] =	wrdreg $0xFFFFFFFF;
	(pc) =	sbr.abs _section_cstart, $3  }
0xc7: {  	[dreg:$0x1] =	wrdreg $0xFFFFFFFF  }
0xc8: {  	_ =	task.clear_ibuf [dreg:s8], $0x2FFFF;
	_ =	strace $0x9FFFFFFF  }
0xc9: {  	(tm) =	ssettm $0x7FFFFFFF  }
tec
execute0_lowered:
.L_overlay_start_1:
0x0: {  	(tag) =	ssettag $0x1  }
0x1: {  	s3 =	rddreg [dreg:$0x0]  }
0x2: {  	s4 =	rddreg [dreg:$0x1]  }
0x3: {  	s5 =	rddreg [dreg:$0x2]  }
0x4: {  	s0 =	rddreg [dreg:$0x3];
	s6 =	srdreg.scid  }
0x5: {  	s2 =	simm.s32 $0x0;
	s1 =	stileid.u32;
	s11 =	simm.s32 $0x4800  }
0x6: {  	s12 =	simm.s32 $0x0;
	s6 =	sand.u32 $0x1, s6;
	[smem:$0x7FF] =	sst s2  }
0x7: {  	s7 =	sshll.u32 s1, $0xB;
	s8 =	sshll.u32 s6, $0xA;
	s6 =	ssub.s32 $0x2, s6  }
0x8: {  	_ =	strace $0x80000047;
	s7 =	sor.u32 s8, s7;
	s9 =	sshrl.u32 s6, $0x1  }
0x9: {  	s8 =	sadd.s32 s7, s3;
	s7 =	sshrl.u32 s7, $0x3;
	s9 =	ssub.s32 s6, s9  }
0xa: {  	s10 =	sadd.s32 s7, s3;
	s3 =	sadd.s32 $0x1600, s8;
	s4 =	sadd.s32 s4, s7  }
0xb: {  	s5 =	sadd.s32 s5, s7;
	s7 =	smax.u32 s9, $0x1;
	s8 =	simm.s32 $0x2000  }
0xc: {  	s9 =	simm.s32 $0x40000;
	s6 =	sadd.s32 $0x11600, s10;
	s10 =	simm.s32 $0x1  }
.LBB2_1:
0xd: {  	[tilespmem:s2], [sflag:$0x1] =	stream.strided.gather [hbm4b:s3+s8], $0x4000, s9, s8, $0x38;
	[tilespmem:$0x4C00] =	vst v63  }
0xe: {  	_ =	swait.ge [sflag:s10], $0x4000  }
0xf: {  	[sflag:s10] =	ssyncset.done $0x0  }
0x10: {  	s13 =	simm.s32 $0x4000;
	[sflag:s10] =	ssyncadd.s32 $0xFFFFC000  }
0x11: {  	[tilespmem:s13], [sflag:$0x1] =	stream.linear.gather [hbm4b:s4+s2], $0x400, $0x38;
	[tilespmem:$0x4C00] =	vst v63  }
0x12: {  	_ =	swait.ge [sflag:s10], $0x400  }
0x13: {  	[sflag:s10] =	ssyncset.done $0x0  }
0x14: {  	s14 =	simm.s32 $0x4400;
	[sflag:s10] =	ssyncadd.s32 $0xFFFFFC00  }
0x15: {  	[tilespmem:s14], [sflag:$0x1] =	stream.linear.gather [hbm4b:s5+s2], $0x400, $0x38;
	[tilespmem:$0x4C00] =	vst v63  }
0x16: {  	_ =	swait.ge [sflag:s10], $0x400  }
0x17: {  	s15 =	simm.s32 $0x4800;
	s16 =	simm.s32 $0x0;
	[sflag:s10] =	ssyncset.done $0x0  }
0x18: {  	s17 =	simm.s32 $0x0;
	s18 =	simm.s32 $0x0;
	[sflag:s10] =	ssyncadd.s32 $0xFFFFFC00  }
.LBB2_2:
0x19: {  	s29 =	sand.u32 $0x60, s18;
	v0 =	vld [tilespmem:s13+$0x0];
	s21 =	sand.u32 $0x1C00, s17  }
0x1a: {  	v1 =	vld [tilespmem:s14+$0x0];
	s24 =	sor.u32 s29, s21  }
0x1b: {  	s23 =	sor.u32 $0x2000, s21;
	v2 =	vld [tilespmem:s24+$0x0]  }
0x1c: {  	s25 =	sor.u32 $0x2080, s21;
	s19 =	sor.u32 s29, s23;
	v4 =	vld [tilespmem:s24+$0x80]  }
0x1d: {  	s31 =	sor.u32 s29, s25;
	v3 =	vld [tilespmem:s19+$0x0]  }
0x1e: {  	s26 =	sor.u32 $0x2100, s21;
	v5 =	vld [tilespmem:s31+$0x0]  }
0x1f: {  	v6 =	vld [tilespmem:s24+$0x100];
	s20 =	sor.u32 s29, s26  }
0x20: {  	v7 =	vld [tilespmem:s20+$0x0];
	s20 =	sor.u32 $0x2180, s21  }
0x21: {  	v8 =	vld [tilespmem:s24+$0x180];
	s22 =	sor.u32 s29, s20  }
0x22: {  	s19 =	sor.u32 $0x2200, s21;
	v12 =	vld [tilespmem:s22+$0x0]  }
0x23: {  	v15 =	vld [tilespmem:s24+$0x200];
	s28 =	sor.u32 s29, s19;
	s22 =	sand.u32 $0x3, s16;
	vm6 =	vgt.f32 v4, v2;
	v13 =	vmax.f32 v2, v5;
	v14 =	vmax.f32 v3, v4  }
0x24: {  	v9 =	vand.u32 $0x7, v0;
	v16 =	vld [tilespmem:s28+$0x0];
	s30 =	sshll.u32 s22, $0x5;
	s22 =	sor.u32 $0x2280, s21;
	v43 =	vmax.f32 v2, v4;
	v13 =	vsel vm6, v13, v14  }
0x25: {  	v19 =	vld [tilespmem:s24+$0x280];
	s28 =	sor.u32 s29, s22;
	s30 =	sadd.s32 s30, s17;
	vm3 =	vgt.f32 v6, v43;
	v17 =	vmax.f32 v43, v7;
	v18 =	vmax.f32 v13, v6  }
0x26: {  	s24 =	sor.u32 $0x2300, s21;
	v10 =	vand.u32 $0x7, v1;
	v44 =	vmax.f32 v43, v6;
	v20 =	vld [tilespmem:s28+$0x0];
	s31 =	sor.u32 $0x300, s30;
	v17 =	vsel vm3, v17, v18  }
0x27: {  	s28 =	sor.u32 s29, s24;
	vm4 =	vgt.f32 v8, v44;
	v23 =	vld [tilespmem:s31+$0x0];
	s31 =	sor.u32 s17, s18;
	v21 =	vmax.f32 v44, v12;
	v22 =	vmax.f32 v17, v8  }
0x28: {  	v11 =	vshrl.u32 v0, $0x3;
	v45 =	vmax.f32 v44, v8;
	v25 =	vld [tilespmem:s28+$0x0];
	s28 =	sor.u32 $0x2380, s21;
	s31 =	sor.u32 $0x380, s31;
	v21 =	vsel vm4, v21, v22  }
0x29: {  	vm5 =	vgt.f32 v15, v45;
	v26 =	vmax.f32 v45, v16;
	v28 =	vld [tilespmem:s31+$0x0];
	s31 =	sor.u32 s29, s28;
	v27 =	vmax.f32 v21, v15  }
0x2a: {  	v24 =	vshrl.u32 v1, $0x3;
	v46 =	vmax.f32 v45, v15;
	v29 =	vld [tilespmem:s31+$0x0];
	v26 =	vsel vm5, v26, v27  }
0x2b: {  	vm2 =	vgt.f32 v19, v46;
	v30 =	vmax.f32 v46, v20;
	v31 =	vmax.f32 v26, v19  }
0x2c: {  	v54 =	vshrl.u32 v0, $0x6;
	v48 =	vmax.f32 v46, v19;
	v47 =	vsel vm2, v30, v31  }
0x2d: {  	vm1 =	vgt.f32 v23, v48;
	v49 =	vmax.f32 v48, v25;
	v31 =	vmax.f32 v47, v23  }
0x2e: {  	v55 =	vshrl.u32 v1, $0x6;
	v51 =	vmax.f32 v48, v23;
	v50 =	vsel vm1, v49, v31  }
0x2f: {  	vm0 =	vgt.f32 v28, v51;
	v52 =	vmax.f32 v51, v29;
	v31 =	vmax.f32 v50, v28  }
0x30: {  	v59 =	vshrl.u32 v0, $0x9;
	v53 =	vmax.f32 v51, v28;
	v30 =	vsel vm0, v52, v31  }
0x31: {  	v61 =	vshrl.u32 v1, $0x9;
	v32 =	vshrl.u32 v1, $0x12;
	v30 =	vsub.f32 v30, v53  }
0x32: {  	v33 =	vshrl.u32 v0, $0x12;
	v11 =	vand.u32 $0x7, v11;
	v24 =	vand.u32 $0x7, v24  }
0x33: {  	v57 =	vand.u32 $0x7, v55;
	v60 =	vand.u32 $0x7, v59;
	v56 =	vmul.f32 $1.442695020e+00, v30  }
0x34: {  	v63 =	vand.u32 $0x7, v61;
	v11 =	vor.u32 $0x8, v11;
	v24 =	vor.u32 $0x8, v24  }
0x35: {  	v62 =	vor.u32 $0x18, v60;
	vm7 =	vgt.f32 v5, v2;
	(erf) = vpow2.f32 v56  }
0x36: {  	vm8 =	vgt.f32 v4, v3;
	vm9 =	vgt.f32 v7, v43;
	v7 =	vand.u32 $0x7, v54  }
0x37: {  	v24 =	vsel vm7, v24, v9;
	v10 =	vsel vm8, v11, v10;
	v9 =	vsel vm6, v11, v9  }
0x38: {  	v7 =	vor.u32 $0x10, v7;
	v11 =	vor.u32 $0x10, v57;
	v10 =	vsel vm6, v24, v10  }
0x39: {  	vm10 =	vgt.f32 v6, v13;
	v58 =	vsel vm9, v11, v9;
	vm11 =	vgt.f32 v12, v44  }
0x3a: {  	v13 =	vshrl.u32 v0, $0xC;
	vm13 =	vgt.f32 v16, v45;
	v24 =	vshrl.u32 v0, $0xF  }
0x3b: {  	v0 =	vshrl.u32 v0, $0x15;
	v10 =	vsel vm10, v7, v10;
	v7 =	vsel vm3, v7, v9  }
0x3c: {  	v14 =	vand.u32 $0x7, v13;
	v0 =	vand.u32 $0x7, v0;
	v6 =	vsel vm3, v58, v10  }
0x3d: {  	v10 =	vor.u32 $0x18, v63;
	vm12 =	vgt.f32 v8, v17;
	v17 =	vshrl.u32 v1, $0xC  }
0x3e: {  	v8 =	vor.u32 $0x20, v14;
	v0 =	vor.u32 $0x38, v0;
	v12 =	vsel vm11, v10, v7;
	v22 =	vpop (erf)  }
0x3f: {  	v6 =	vsel vm12, v62, v6;
	v7 =	vsel vm4, v62, v7;
	v10 =	vadd.f32 $1.000000000e+00, v22  }
0x40: {  	v18 =	vand.u32 $0x7, v17;
	vm15 =	vgt.f32 v20, v46;
	v6 =	vsel vm4, v12, v6  }
0x41: {  	v9 =	vor.u32 $0x20, v18;
	vm14 =	vgt.f32 v15, v21;
	(erf) = vrcp.f32 v10  }
0x42: {  	vm9 =	vgt.f32 v25, v48;
	v9 =	vsel vm13, v9, v7;
	v6 =	vsel vm14, v8, v6  }
0x43: {  	v7 =	vsel vm5, v8, v7;
	v6 =	vsel vm5, v9, v6;
	vm8 =	vgt.f32 v19, v26  }
0x44: {  	vm11 =	vgt.f32 v29, v51;
	vm10 =	vgt.f32 v23, v47;
	v31 =	vshrl.u32 v1, $0xF  }
0x45: {  	vm12 =	vgt.f32 v28, v50;
	v9 =	vand.u32 $0x7, v31;
	v30 =	vand.u32 $0x7, v24  }
0x46: {  	v1 =	vshrl.u32 v1, $0x15;
	v9 =	vor.u32 $0x28, v9;
	v8 =	vor.u32 $0x28, v30  }
0x47: {  	v9 =	vsel vm15, v9, v7;
	v6 =	vsel vm8, v8, v6;
	v7 =	vsel vm2, v8, v7  }
0x48: {  	v8 =	vand.u32 $0x7, v33;
	v6 =	vsel vm2, v9, v6;
	v9 =	vand.u32 $0x7, v32  }
0x49: {  	v1 =	vand.u32 $0x7, v1;
	v34 =	vor.u32 $0x30, v8;
	v9 =	vor.u32 $0x30, v9  }
0x4a: {  	v1 =	vor.u32 $0x38, v1;
	v2 =	vsel vm10, v34, v6;
	v35 =	vsel vm9, v9, v7;
	v36 =	vpop (erf)  }
0x4b: {  	v5 =	vsel vm1, v34, v7;
	v2 =	vsel vm1, v35, v2;
	v37 =	vmul.f32 $5.242870000e+05, v36  }
0x4c: {  	v1 =	vsel vm11, v1, v5;
	v2 =	vsel vm12, v0, v2  }
0x4d: {  	v0 =	vsel vm0, v0, v5;
	v1 =	vsel vm0, v1, v2;
	v38 =	vtrunc.f32 v37  }
0x4e: {  	v0 =	vshll.u32 v0, $0x19;
	v1 =	vshll.u32 v1, $0x13;
	v2 =	vcvt.f32.s32 v38  }
0x4f: {  	v0 =	vor.u32 v0, v1  }
0x50: {  	s31 =	sor.u32 $0x10, s29;
	s29 =	sand.u32 $0x380, s18;
	v0 =	vor.u32 v2, v0  }
0x51: {  	s29 =	sor.u32 s29, s31;
	[tilespmem:s15+$0x0] =	vst v0  }
0x52: {  	v0 =	vld [tilespmem:s29+$0x4000]  }
0x53: {  	s21 =	sor.u32 s31, s21;
	v1 =	vld [tilespmem:s29+$0x4400]  }
0x54: {  	s23 =	sor.u32 s31, s23;
	v39 =	vld [tilespmem:s21+$0x0]  }
0x55: {  	v40 =	vld [tilespmem:s23+$0x0]  }
0x56: {  	s25 =	sor.u32 s31, s25;
	v41 =	vld [tilespmem:s21+$0x80]  }
0x57: {  	v42 =	vld [tilespmem:s25+$0x0]  }
0x58: {  	s26 =	sor.u32 s31, s26;
	v6 =	vld [tilespmem:s21+$0x100]  }
0x59: {  	v45 =	vld [tilespmem:s26+$0x0]  }
0x5a: {  	s20 =	sor.u32 s31, s20;
	v11 =	vld [tilespmem:s21+$0x180]  }
0x5b: {  	v48 =	vld [tilespmem:s20+$0x0]  }
0x5c: {  	s19 =	sor.u32 s31, s19;
	v16 =	vld [tilespmem:s21+$0x200];
	vm13 =	vgt.f32 v41, v39;
	v49 =	vmax.f32 v39, v42;
	v50 =	vmax.f32 v40, v41  }
0x5d: {  	v52 =	vld [tilespmem:s19+$0x0];
	v43 =	vshrl.u32 v0, $0x3;
	v2 =	vmax.f32 v39, v41;
	v51 =	vsel vm13, v49, v50  }
0x5e: {  	s22 =	sor.u32 s31, s22;
	v18 =	vld [tilespmem:s21+$0x280];
	vm15 =	vgt.f32 v6, v2;
	v53 =	vmax.f32 v2, v45;
	v54 =	vmax.f32 v51, v6  }
0x5f: {  	s23 =	sadd.s32 $0x10, s30;
	v19 =	vld [tilespmem:s22+$0x0];
	s26 =	sor.u32 s31, s24;
	v44 =	vshrl.u32 v1, $0x3;
	v55 =	vmax.f32 v2, v6;
	v15 =	vsel vm15, v53, v54  }
0x60: {  	s25 =	sor.u32 $0x300, s23;
	v20 =	vld [tilespmem:s26+$0x0];
	vm9 =	vgt.f32 v11, v55;
	v56 =	vmax.f32 v55, v48;
	v57 =	vmax.f32 v15, v11  }
0x61: {  	s31 =	sor.u32 s31, s28;
	v22 =	vld [tilespmem:s25+$0x0];
	v46 =	vand.u32 $0x7, v0;
	v59 =	vmax.f32 v55, v11;
	v58 =	vsel vm9, v56, v57  }
0x62: {  	s30 =	sor.u32 $0x380, s23;
	v63 =	vld [tilespmem:s31+$0x0];
	vm11 =	vgt.f32 v16, v59;
	v60 =	vmax.f32 v59, v52;
	v61 =	vmax.f32 v58, v16  }
0x63: {  	v24 =	vld [tilespmem:s30+$0x0];
	v47 =	vand.u32 $0x7, v1;
	v62 =	vmax.f32 v59, v16;
	v21 =	vsel vm11, v60, v61  }
0x64: {  	vm2 =	vgt.f32 v18, v62;
	v30 =	vmax.f32 v62, v19;
	v31 =	vmax.f32 v21, v18  }
0x65: {  	vm14 =	vgt.f32 v42, v39;
	v33 =	vmax.f32 v62, v18;
	v32 =	vsel vm2, v30, v31  }
0x66: {  	vm1 =	vgt.f32 v22, v33;
	v34 =	vmax.f32 v33, v20;
	v35 =	vmax.f32 v32, v22  }
0x67: {  	vm10 =	vgt.f32 v41, v40;
	v37 =	vmax.f32 v33, v22;
	v36 =	vsel vm1, v34, v35  }
0x68: {  	vm0 =	vgt.f32 v24, v37;
	v38 =	vmax.f32 v37, v63;
	v28 =	vmax.f32 v36, v24  }
0x69: {  	v41 =	vshrl.u32 v0, $0x6;
	v40 =	vmax.f32 v37, v24;
	v39 =	vsel vm0, v38, v28  }
0x6a: {  	v42 =	vshrl.u32 v1, $0x6;
	v7 =	vand.u32 $0x7, v43;
	v10 =	vsub.f32 v39, v40  }
0x6b: {  	v8 =	vand.u32 $0x7, v44;
	vm12 =	vgt.f32 v45, v2;
	v43 =	vand.u32 $0x7, v41  }
0x6c: {  	v44 =	vand.u32 $0x7, v42;
	v45 =	vshrl.u32 v0, $0x9;
	v10 =	vmul.f32 $1.442695020e+00, v10  }
0x6d: {  	v49 =	vshrl.u32 v0, $0xC;
	v50 =	vshrl.u32 v1, $0xC;
	v7 =	vor.u32 $0x8, v7  }
0x6e: {  	v8 =	vor.u32 $0x8, v8;
	v5 =	vor.u32 $0x10, v43;
	(erf) = vpow2.f32 v10  }
0x6f: {  	v4 =	vand.u32 $0x7, v49;
	v8 =	vsel vm14, v8, v46;
	v12 =	vsel vm10, v7, v47  }
0x70: {  	v7 =	vsel vm13, v7, v46;
	vm14 =	vgt.f32 v48, v55;
	v46 =	vshrl.u32 v1, $0x9  }
0x71: {  	v47 =	vand.u32 $0x7, v45;
	vm8 =	vgt.f32 v52, v59;
	v52 =	vor.u32 $0x20, v4  }
0x72: {  	v8 =	vsel vm13, v8, v12;
	vm13 =	vgt.f32 v6, v51;
	v6 =	vor.u32 $0x10, v44  }
0x73: {  	v48 =	vand.u32 $0x7, v46;
	v51 =	vand.u32 $0x7, v50;
	vm10 =	vgt.f32 v19, v62  }
0x74: {  	v6 =	vsel vm12, v6, v7;
	v8 =	vsel vm13, v5, v8;
	v5 =	vsel vm15, v5, v7  }
0x75: {  	v7 =	vor.u32 $0x18, v47;
	v53 =	vor.u32 $0x20, v51;
	v56 =	vshrl.u32 v0, $0xF  }
0x76: {  	v57 =	vshrl.u32 v1, $0xF;
	vm12 =	vgt.f32 v20, v33;
	v6 =	vsel vm15, v6, v8  }
0x77: {  	vm15 =	vgt.f32 v11, v15;
	v8 =	vor.u32 $0x18, v48;
	v59 =	vand.u32 $0x7, v57;
	v54 =	vpop (erf)  }
0x78: {  	v8 =	vsel vm14, v8, v5;
	v6 =	vsel vm15, v7, v6;
	v55 =	vadd.f32 $1.000000000e+00, v54  }
0x79: {  	v5 =	vsel vm9, v7, v5;
	v60 =	vshrl.u32 v1, $0x12;
	v61 =	vshrl.u32 v0, $0x12  }
0x7a: {  	v0 =	vshrl.u32 v0, $0x15;
	v1 =	vshrl.u32 v1, $0x15;
	(erf) = vrcp.f32 v55  }
0x7b: {  	vm14 =	vgt.f32 v63, v37;
	v6 =	vsel vm9, v8, v6;
	vm9 =	vgt.f32 v16, v58  }
0x7c: {  	v4 =	vsel vm8, v53, v5;
	v3 =	vsel vm11, v52, v5;
	v58 =	vand.u32 $0x7, v56  }
0x7d: {  	v0 =	vand.u32 $0x7, v0;
	v1 =	vand.u32 $0x7, v1;
	v6 =	vsel vm9, v52, v6  }
0x7e: {  	v5 =	vor.u32 $0x28, v58;
	v0 =	vor.u32 $0x38, v0;
	v1 =	vor.u32 $0x38, v1  }
0x7f: {  	v4 =	vsel vm11, v4, v6;
	vm11 =	vgt.f32 v18, v21;
	v6 =	vor.u32 $0x28, v59  }
0x80: {  	v6 =	vsel vm10, v6, v3;
	v4 =	vsel vm11, v5, v4;
	v3 =	vsel vm2, v5, v3  }
0x81: {  	v5 =	vand.u32 $0x7, v61;
	v4 =	vsel vm2, v6, v4;
	v6 =	vand.u32 $0x7, v60  }
0x82: {  	vm13 =	vgt.f32 v22, v32;
	v5 =	vor.u32 $0x30, v5;
	v6 =	vor.u32 $0x30, v6  }
0x83: {  	vm15 =	vgt.f32 v24, v36;
	v4 =	vsel vm13, v5, v4;
	v6 =	vsel vm12, v6, v3;
	v62 =	vpop (erf)  }
0x84: {  	v3 =	vsel vm1, v5, v3;
	v4 =	vsel vm1, v6, v4;
	v63 =	vmul.f32 $5.242870000e+05, v62  }
0x85: {  	p0 =	sne.s32 s18, $0x3E0;
	v1 =	vsel vm14, v1, v3;
	v4 =	vsel vm15, v0, v4  }
.Ltmp0:
0x86: {  	v0 =	vsel vm0, v0, v3;
	v1 =	vsel vm0, v1, v4;
	v2 =	vtrunc.f32 v63;
	(pc) =	sbr.rel @p0 .LBB2_2-.Ltmp0, $4  }
0x87: {  	v0 =	vshll.u32 v0, $0x19;
	v1 =	vshll.u32 v1, $0x13;
	v2 =	vcvt.f32.s32 v2  }
0x88: {  	v0 =	vor.u32 v0, v1  }
0x89: {  	s13 =	sadd.s32 $0x20, s13;
	s14 =	sadd.s32 $0x20, s14;
	s16 =	sadd.s32 $0x1, s16;
	v0 =	vor.u32 v2, v0  }
0x8a: {  	s17 =	sadd.s32 $0x100, s17;
	s18 =	sadd.s32 $0x20, s18;
	s15 =	sadd.s32 $0x20, s15;
	[tilespmem:s29+$0x4800] =	vst v0  }
0x8b: {  	s12 =	sadd.s32 $0x1, s12  }
0x8c: {  	p0 =	sne.s32 s12, s7  }
.Ltmp1:
0x8d: {  	_ = 	snop;
	(pc) =	sbr.rel @p0 .LBB2_1-.Ltmp1, $4  }
0x8e: {  	[hbm4b:s6+s2] =	stream.linear.scatter [tilespmem:s11], [sflag:$0x1], $0x400, $0x38;
	[tilespmem:$0x4C00] =	vst v63  }
0x8f: {  	_ =	swait.ge [sflag:s10], $0x400  }
0x90: {  	[sflag:s10] =	ssyncset.done $0x0  }
0x91: {  	[sflag:s10] =	ssyncadd.s32 $0xFFFFFC00  }
0x92: {  	_ =	sfence.sel $0x180000  }
0x93: {  	[bflag:$0x0] =	sbarrier.arrive $0xFFFF  }
0x94: {  	p0 =	sne.s32 s1, $0x0;
	_ =	strace $0x90000047  }
0x95: {  	s0 =	sadd.s32 @!p0 $0x100000, s0;
	[bflag:$0x2] =	sbarrier.arrive $0xFFFF  }
0x96: {  	[sflag:s0] =	ssyncadd.tile.s32 @!p0 $0x1;
	_ =	shalt  }
.Lfunc_end2:
_tile_overlayer_lowered:
.L_overlay_start_2:
0x97: {  	(tag) =	ssettag $0x2  }
0x98: {  	s0 =	rddreg [dreg:$0x0];
	s2 =	stileid.u32  }
0x99: {  	s1 =	rddreg [dreg:$0x1];
	p0 =	sne.s32 s2, $0x0  }
0x9a: {  	s3 =	rddreg [dreg:$0x2];
	[bflag:$0x3] =	sbarrier.arrive $0xFFFF;
	s2 =	simm.s32 @!p0 $0x1C01  }
0x9b: {  	[timem:s3], [sflag:s2] =	dma.local @!p0 [hbm:s0], s1  }
0x9c: {  	s0 =	simm.s32 @!p0 $0x1  }
0x9d: {  	_ =	swait.ge @!p0 [sflag:s0], s1  }
0x9e: {  	s1 =	ssub.s32 @!p0 $0x0, s1;
	[sflag:s0] =	ssyncset.done @!p0 $0x0  }
0x9f: {  	[sflag:s0] =	ssyncadd.s32 @!p0 s1  }
0xa0: {  	[bflag:$0x3] =	sbarrier.arrive $0xFFFF  }
0xa1: {  	_ =	shalt  }

</sc_bundles>
